<compile_context>
chip_gen: v7x
topology: tpu7x:2x2x1
jax: 0.10.2.dev20260603
libtpu: 0.0.44.dev20260713+nightly
codegen_flags: <defaults>
</compile_context>

<pallas_src>
import functools

import jax
import jax.numpy as jnp
from jax import lax
from jax.experimental import pallas as pl
from jax.experimental.pallas import tpu as pltpu
from jax.experimental.pallas import tpu_sc as plsc

NUM_NODES = 1000000
EMBED_DIM = 32
BATCH = 16384

_info = plsc.get_sparse_core_info()
_NC = _info.num_cores
_NS = _info.num_subcores
_NW = _NC * _NS
_B_PER_W = BATCH // _NW
_L = 16
_GROUPS = _B_PER_W // _L

_mesh = plsc.VectorSubcoreMesh(core_axis_name="c", subcore_axis_name="s")


@functools.partial(
    pl.kernel,
    mesh=_mesh,
    out_type=jax.ShapeDtypeStruct((EMBED_DIM, BATCH), jnp.float32),
    scratch_types=[
        pltpu.VMEM((_B_PER_W,), jnp.int32),
        pltpu.VMEM((16, EMBED_DIM, 128), jnp.float32),
        pltpu.VMEM((EMBED_DIM, _B_PER_W), jnp.float32),
        pltpu.SemaphoreType.DMA,
    ],
    compiler_params=pltpu.CompilerParams(
        needs_layout_passes=False,
        disable_bounds_checks=True,
    ),
)
def _gather_kernel(idx_hbm, embt_hbm, out_hbm, idx_v, bufs_v, rows_v, sem):
    wid = lax.axis_index("s") * _NC + lax.axis_index("c")
    base = wid * _B_PER_W
    pltpu.sync_copy(idx_hbm.at[pl.ds(base, _B_PER_W)], idx_v)

    slot = lax.iota(jnp.int32, _L)

    def body(g, carry):
        vec16 = idx_v[pl.ds(g * _L, _L)]
        lanes = vec16 & 127
        copies = []
        for l in range(_L):
            i = vec16[l]
            c = pl.multiple_of((i >> 7) << 7, 128)
            copies.append(pltpu.async_copy(
                embt_hbm.at[:, pl.ds(c, 128)], bufs_v.at[l], sem))
        for l in range(_L):
            copies[l].wait()
        for d in range(EMBED_DIM):
            dvec = jnp.full((_L,), d, jnp.int32)
            val = plsc.load_gather(bufs_v, [slot, dvec, lanes])
            rows_v[d, pl.ds(g * _L, _L)] = val
        return carry

    lax.fori_loop(0, _GROUPS, body, 0)
    pltpu.sync_copy(rows_v, out_hbm.at[:, pl.ds(base, _B_PER_W)])


def kernel(node_indices, embeddings):
    idx = node_indices.astype(jnp.int32)
    return _gather_kernel(idx, embeddings.T).T

# --- scband reference (transcript-rebuilt; emitter-appended) ---
"""Pipeline reference for scband-node-embeddings-13108240187526 (READ-ONLY COPY).

The authoritative reference and input builder live on the scoring server;
editing this copy changes nothing except your own understanding.
"""

import jax, jax.numpy as jnp
import numpy as np

NUM_NODES = 1000000
EMBED_DIM = 32
BATCH = 16384
INIT_STD = 0.01

def setup_inputs(seed: int = 0) -> dict:
    key = jax.random.key(seed)
    k_idx, k_emb = jax.random.split(key)
    node_indices = jax.random.randint(k_idx, (BATCH,), 0, NUM_NODES, dtype=jnp.int64 if jax.config.jax_enable_x64 else jnp.int32)
    embeddings = INIT_STD * jax.random.normal(k_emb, (NUM_NODES, EMBED_DIM), dtype=jnp.float32)
    return {"node_indices": node_indices, "embeddings": embeddings}

def reference(node_indices, embeddings):
    # NodeEmbeddings.forward: gather rows of the learned embedding table
    return jnp.take(embeddings, node_indices, axis=0)

if __name__ == "__main__":
    import jax
    _d = setup_inputs()
    print(jax.jit(kernel)(*tuple(_d.values())))

</pallas_src>

<mosaic_0001>
#map = affine_map<(d0, d1) -> (0)>
#map1 = affine_map<(d0, d1) -> (0, 0)>
module attributes {stable_mosaic.version = 14 : i64} {
  func.func @_gather_kernel(%arg0: i32, %arg1: i32, %arg2: memref<16384xi32, #tpu.memory_space<hbm>>, %arg3: memref<32x1000000xf32, #tpu.memory_space<hbm>>, %arg4: memref<32x16384xf32, #tpu.memory_space<hbm>>, %arg5: memref<512xi32, #tpu.memory_space<vmem>>, %arg6: memref<16x32x128xf32, #tpu.memory_space<vmem>>, %arg7: memref<32x512xf32, #tpu.memory_space<vmem>>, %arg8: memref<!tpu.dma_semaphore, #tpu.memory_space<semaphore_mem>>) attributes {dimension_semantics = [#tpu.dimension_semantics<core_parallel>, #tpu.dimension_semantics<subcore_parallel>], iteration_bounds = array<i64: 2, 16>, scalar_prefetch = 0 : i64, scratch_operands = 4 : i64, tpu.core_type = #tpu.core_type<sc_vector_subcore>, window_params = [{transform_indices = #map}, {transform_indices = #map1}, {transform_indices = #map1}]} {
    %mul3A = arith.constant 2 : i32
    %mul3A_0 = arith.muli %arg1, %mul3A : i32
    %add3A = arith.addi %mul3A_0, %arg0 : i32
    %mul3A_1 = arith.constant 512 : i32
    %mul3A_2 = arith.muli %add3A, %mul3A_1 : i32
    "tpu.region"() ({
      %run_scoped3A = tpu.sem_alloc : memref<!tpu.dma_semaphore, #tpu.memory_space<semaphore_mem>>
      %dma_start3A = tpu.memref_slice %arg2[%mul3A_2] : memref<16384xi32, #tpu.memory_space<hbm>> -> memref<512xi32, #tpu.memory_space<hbm>>
      %dma_start3A_8 = tpu.memref_slice %arg2[%mul3A_2] : memref<16384xi32, #tpu.memory_space<hbm>> -> memref<512xi32, #tpu.memory_space<hbm>>
      tpu.enqueue_dma source(%dma_start3A_8 : memref<512xi32, #tpu.memory_space<hbm>>) target(%arg5 : memref<512xi32, #tpu.memory_space<vmem>>) target_semaphore(%run_scoped3A : memref<!tpu.dma_semaphore, #tpu.memory_space<semaphore_mem>>)
      %dma_wait3A = tpu.memref_slice %arg2[%mul3A_2] : memref<16384xi32, #tpu.memory_space<hbm>> -> memref<512xi32, #tpu.memory_space<hbm>>
      %dma_wait3A_9 = tpu.memref_slice %arg2[%mul3A_2] : memref<16384xi32, #tpu.memory_space<hbm>> -> memref<512xi32, #tpu.memory_space<hbm>>
      tpu.wait_dma2 semaphore(%run_scoped3A : memref<!tpu.dma_semaphore, #tpu.memory_space<semaphore_mem>>) src(%dma_wait3A_9 : memref<512xi32, #tpu.memory_space<hbm>>) dst(%arg5 : memref<512xi32, #tpu.memory_space<vmem>>)
      tpu.yield
    }) : () -> ()
    %iota3A = tpu.iota {dimensions = array<i32: 0>} : vector<16xi32>
    %scan3A = arith.constant 0 : i32
    %scan3A_3 = arith.constant 0 : i32
    %scan3A_4 = arith.constant 32 : i32
    %scan3A_5 = arith.addi %scan3A_3, %scan3A_4 : i32
    %scan3A_6 = arith.constant 1 : i32
    scf.for %scan3A_8 = %scan3A_3 to %scan3A_5 step %scan3A_6  : i32 {
      %mul3A_9 = arith.constant 16 : i32
      %mul3A_10 = arith.muli %scan3A_8, %mul3A_9 : i32
      %get3A = arith.index_cast %mul3A_10 : i32 to index
      %get3A_11 = tpu.vector_load %arg5[%get3A] {strides = array<i32>} : memref<512xi32, #tpu.memory_space<vmem>>, vector<16xi32>,
      %and3A = arith.constant 127 : i32
      %and3A_12 = vector.broadcast %and3A : i32 to vector<16xi32>
      %and3A_13 = arith.andi %get3A_11, %and3A_12 : vector<16xi32>
      %slice3A = vector.extract_strided_slice %get3A_11 {offsets = [0], sizes = [1], strides = [1]} : vector<16xi32> to vector<1xi32>
      %squeeze3A = vector.extract %slice3A[0] : i32 from vector<1xi32>
      %shift_right_arithmetic3A = arith.constant 7 : i32
      %shift_right_arithmetic3A_14 = arith.shrsi %squeeze3A, %shift_right_arithmetic3A : i32
      %shift_left3A = arith.constant 7 : i32
      %shift_left3A_15 = arith.shli %shift_right_arithmetic3A_14, %shift_left3A : i32
      %multiple_of3A = tpu.assume_multiple %shift_left3A_15, 128 : i32
      %dma_start3A = arith.constant 0 : i32
      %dma_start3A_16 = arith.constant 0 : i32
      %dma_start3A_17 = arith.constant 0 : i32
      %dma_start3A_18 = tpu.memref_slice %arg6[%dma_start3A, %dma_start3A_16, %dma_start3A_17] : memref<16x32x128xf32, #tpu.memory_space<vmem>> -> memref<1x32x128xf32, #tpu.memory_space<vmem>>
      %dma_start3A_19 = tpu.memref_squeeze %dma_start3A_18 : memref<1x32x128xf32, #tpu.memory_space<vmem>> -> memref<32x128xf32, #tpu.memory_space<vmem>>
      %dma_start3A_20 = arith.constant 0 : i32
      %dma_start3A_21 = tpu.memref_slice %arg3[%dma_start3A_20, %multiple_of3A] : memref<32x1000000xf32, #tpu.memory_space<hbm>> -> memref<32x128xf32, #tpu.memory_space<hbm>>
      %dma_start3A_22 = arith.constant 0 : i32
      %dma_start3A_23 = arith.constant 0 : i32
      %dma_start3A_24 = tpu.memref_slice %arg6[%dma_start3A, %dma_start3A_22, %dma_start3A_23] : memref<16x32x128xf32, #tpu.memory_space<vmem>> -> memref<1x32x128xf32, #tpu.memory_space<vmem>>
      %dma_start3A_25 = tpu.memref_squeeze %dma_start3A_24 : memref<1x32x128xf32, #tpu.memory_space<vmem>> -> memref<32x128xf32, #tpu.memory_space<vmem>>
      %dma_start3A_26 = arith.constant 0 : i32
      %dma_start3A_27 = tpu.memref_slice %arg3[%dma_start3A_26, %multiple_of3A] : memref<32x1000000xf32, #tpu.memory_space<hbm>> -> memref<32x128xf32, #tpu.memory_space<hbm>>
      tpu.enqueue_dma source(%dma_start3A_27 : memref<32x128xf32, #tpu.memory_space<hbm>>) target(%dma_start3A_25 : memref<32x128xf32, #tpu.memory_space<vmem>>) target_semaphore(%arg8 : memref<!tpu.dma_semaphore, #tpu.memory_space<semaphore_mem>>)
      %slice3A_28 = vector.extract_strided_slice %get3A_11 {offsets = [1], sizes = [1], strides = [1]} : vector<16xi32> to vector<1xi32>
      %squeeze3A_29 = vector.extract %slice3A_28[0] : i32 from vector<1xi32>
      %shift_right_arithmetic3A_30 = arith.constant 7 : i32
      %shift_right_arithmetic3A_31 = arith.shrsi %squeeze3A_29, %shift_right_arithmetic3A_30 : i32
      %shift_left3A_32 = arith.constant 7 : i32
      %shift_left3A_33 = arith.shli %shift_right_arithmetic3A_31, %shift_left3A_32 : i32
      %multiple_of3A_34 = tpu.assume_multiple %shift_left3A_33, 128 : i32
      %dma_start3A_35 = arith.constant 1 : i32
      %dma_start3A_36 = arith.constant 0 : i32
      %dma_start3A_37 = arith.constant 0 : i32
      %dma_start3A_38 = tpu.memref_slice %arg6[%dma_start3A_35, %dma_start3A_36, %dma_start3A_37] : memref<16x32x128xf32, #tpu.memory_space<vmem>> -> memref<1x32x128xf32, #tpu.memory_space<vmem>>
      %dma_start3A_39 = tpu.memref_squeeze %dma_start3A_38 : memref<1x32x128xf32, #tpu.memory_space<vmem>> -> memref<32x128xf32, #tpu.memory_space<vmem>>
      %dma_start3A_40 = arith.constant 0 : i32
      %dma_start3A_41 = tpu.memref_slice %arg3[%dma_start3A_40, %multiple_of3A_34] : memref<32x1000000xf32, #tpu.memory_space<hbm>> -> memref<32x128xf32, #tpu.memory_space<hbm>>
      %dma_start3A_42 = arith.constant 0 : i32
      %dma_start3A_43 = arith.constant 0 : i32
      %dma_start3A_44 = tpu.memref_slice %arg6[%dma_start3A_35, %dma_start3A_42, %dma_start3A_43] : memref<16x32x128xf32, #tpu.memory_space<vmem>> -> memref<1x32x128xf32, #tpu.memory_space<vmem>>
      %dma_start3A_45 = tpu.memref_squeeze %dma_start3A_44 : memref<1x32x128xf32, #tpu.memory_space<vmem>> -> memref<32x128xf32, #tpu.memory_space<vmem>>
      %dma_start3A_46 = arith.constant 0 : i32
      %dma_start3A_47 = tpu.memref_slice %arg3[%dma_start3A_46, %multiple_of3A_34] : memref<32x1000000xf32, #tpu.memory_space<hbm>> -> memref<32x128xf32, #tpu.memory_space<hbm>>
      tpu.enqueue_dma source(%dma_start3A_47 : memref<32x128xf32, #tpu.memory_space<hbm>>) target(%dma_start3A_45 : memref<32x128xf32, #tpu.memory_space<vmem>>) target_semaphore(%arg8 : memref<!tpu.dma_semaphore, #tpu.memory_space<semaphore_mem>>)
      %slice3A_48 = vector.extract_strided_slice %get3A_11 {offsets = [2], sizes = [1], strides = [1]} : vector<16xi32> to vector<1xi32>
      %squeeze3A_49 = vector.extract %slice3A_48[0] : i32 from vector<1xi32>
      %shift_right_arithmetic3A_50 = arith.constant 7 : i32
      %shift_right_arithmetic3A_51 = arith.shrsi %squeeze3A_49, %shift_right_arithmetic3A_50 : i32
      %shift_left3A_52 = arith.constant 7 : i32
      %shift_left3A_53 = arith.shli %shift_right_arithmetic3A_51, %shift_left3A_52 : i32
      %multiple_of3A_54 = tpu.assume_multiple %shift_left3A_53, 128 : i32
      %dma_start3A_55 = arith.constant 2 : i32
      %dma_start3A_56 = arith.constant 0 : i32
      %dma_start3A_57 = arith.constant 0 : i32
      %dma_start3A_58 = tpu.memref_slice %arg6[%dma_start3A_55, %dma_start3A_56, %dma_start3A_57] : memref<16x32x128xf32, #tpu.memory_space<vmem>> -> memref<1x32x128xf32, #tpu.memory_space<vmem>>
      %dma_start3A_59 = tpu.memref_squeeze %dma_start3A_58 : memref<1x32x128xf32, #tpu.memory_space<vmem>> -> memref<32x128xf32, #tpu.memory_space<vmem>>
      %dma_start3A_60 = arith.constant 0 : i32
      %dma_start3A_61 = tpu.memref_slice %arg3[%dma_start3A_60, %multiple_of3A_54] : memref<32x1000000xf32, #tpu.memory_space<hbm>> -> memref<32x128xf32, #tpu.memory_space<hbm>>
      %dma_start3A_62 = arith.constant 0 : i32
      %dma_start3A_63 = arith.constant 0 : i32
      %dma_start3A_64 = tpu.memref_slice %arg6[%dma_start3A_55, %dma_start3A_62, %dma_start3A_63] : memref<16x32x128xf32, #tpu.memory_space<vmem>> -> memref<1x32x128xf32, #tpu.memory_space<vmem>>
      %dma_start3A_65 = tpu.memref_squeeze %dma_start3A_64 : memref<1x32x128xf32, #tpu.memory_space<vmem>> -> memref<32x128xf32, #tpu.memory_space<vmem>>
      %dma_start3A_66 = arith.constant 0 : i32
      %dma_start3A_67 = tpu.memref_slice %arg3[%dma_start3A_66, %multiple_of3A_54] : memref<32x1000000xf32, #tpu.memory_space<hbm>> -> memref<32x128xf32, #tpu.memory_space<hbm>>
      tpu.enqueue_dma source(%dma_start3A_67 : memref<32x128xf32, #tpu.memory_space<hbm>>) target(%dma_start3A_65 : memref<32x128xf32, #tpu.memory_space<vmem>>) target_semaphore(%arg8 : memref<!tpu.dma_semaphore, #tpu.memory_space<semaphore_mem>>)
      %slice3A_68 = vector.extract_strided_slice %get3A_11 {offsets = [3], sizes = [1], strides = [1]} : vector<16xi32> to vector<1xi32>
      %squeeze3A_69 = vector.extract %slice3A_68[0] : i32 from vector<1xi32>
      %shift_right_arithmetic3A_70 = arith.constant 7 : i32
      %shift_right_arithmetic3A_71 = arith.shrsi %squeeze3A_69, %shift_right_arithmetic3A_70 : i32
      %shift_left3A_72 = arith.constant 7 : i32
      %shift_left3A_73 = arith.shli %shift_right_arithmetic3A_71, %shift_left3A_72 : i32
      %multiple_of3A_74 = tpu.assume_multiple %shift_left3A_73, 128 : i32
      %dma_start3A_75 = arith.constant 3 : i32
      %dma_start3A_76 = arith.constant 0 : i32
      %dma_start3A_77 = arith.constant 0 : i32
      %dma_start3A_78 = tpu.memref_slice %arg6[%dma_start3A_75, %dma_start3A_76, %dma_start3A_77] : memref<16x32x128xf32, #tpu.memory_space<vmem>> -> memref<1x32x128xf32, #tpu.memory_space<vmem>>
      %dma_start3A_79 = tpu.memref_squeeze %dma_start3A_78 : memref<1x32x128xf32, #tpu.memory_space<vmem>> -> memref<32x128xf32, #tpu.memory_space<vmem>>
      %dma_start3A_80 = arith.constant 0 : i32
      %dma_start3A_81 = tpu.memref_slice %arg3[%dma_start3A_80, %multiple_of3A_74] : memref<32x1000000xf32, #tpu.memory_space<hbm>> -> memref<32x128xf32, #tpu.memory_space<hbm>>
      %dma_start3A_82 = arith.constant 0 : i32
      %dma_start3A_83 = arith.constant 0 : i32
      %dma_start3A_84 = tpu.memref_slice %arg6[%dma_start3A_75, %dma_start3A_82, %dma_start3A_83] : memref<16x32x128xf32, #tpu.memory_space<vmem>> -> memref<1x32x128xf32, #tpu.memory_space<vmem>>
      %dma_start3A_85 = tpu.memref_squeeze %dma_start3A_84 : memref<1x32x128xf32, #tpu.memory_space<vmem>> -> memref<32x128xf32, #tpu.memory_space<vmem>>
      %dma_start3A_86 = arith.constant 0 : i32
      %dma_start3A_87 = tpu.memref_slice %arg3[%dma_start3A_86, %multiple_of3A_74] : memref<32x1000000xf32, #tpu.memory_space<hbm>> -> memref<32x128xf32, #tpu.memory_space<hbm>>
      tpu.enqueue_dma source(%dma_start3A_87 : memref<32x128xf32, #tpu.memory_space<hbm>>) target(%dma_start3A_85 : memref<32x128xf32, #tpu.memory_space<vmem>>) target_semaphore(%arg8 : memref<!tpu.dma_semaphore, #tpu.memory_space<semaphore_mem>>)
      %slice3A_88 = vector.extract_strided_slice %get3A_11 {offsets = [4], sizes = [1], strides = [1]} : vector<16xi32> to vector<1xi32>
      %squeeze3A_89 = vector.extract %slice3A_88[0] : i32 from vector<1xi32>
      %shift_right_arithmetic3A_90 = arith.constant 7 : i32
      %shift_right_arithmetic3A_91 = arith.shrsi %squeeze3A_89, %shift_right_arithmetic3A_90 : i32
      %shift_left3A_92 = arith.constant 7 : i32
      %shift_left3A_93 = arith.shli %shift_right_arithmetic3A_91, %shift_left3A_92 : i32
      %multiple_of3A_94 = tpu.assume_multiple %shift_left3A_93, 128 : i32
      %dma_start3A_95 = arith.constant 4 : i32
      %dma_start3A_96 = arith.constant 0 : i32
      %dma_start3A_97 = arith.constant 0 : i32
      %dma_start3A_98 = tpu.memref_slice %arg6[%dma_start3A_95, %dma_start3A_96, %dma_start3A_97] : memref<16x32x128xf32, #tpu.memory_space<vmem>> -> memref<1x32x128xf32, #tpu.memory_space<vmem>>
      %dma_start3A_99 = tpu.memref_squeeze %dma_start3A_98 : memref<1x32x128xf32, #tpu.memory_space<vmem>> -> memref<32x128xf32, #tpu.memory_space<vmem>>
      %dma_start3A_100 = arith.constant 0 : i32
      %dma_start3A_101 = tpu.memref_slice %arg3[%dma_start3A_100, %multiple_of3A_94] : memref<32x1000000xf32, #tpu.memory_space<hbm>> -> memref<32x128xf32, #tpu.memory_space<hbm>>
      %dma_start3A_102 = arith.constant 0 : i32
      %dma_start3A_103 = arith.constant 0 : i32
      %dma_start3A_104 = tpu.memref_slice %arg6[%dma_start3A_95, %dma_start3A_102, %dma_start3A_103] : memref<16x32x128xf32, #tpu.memory_space<vmem>> -> memref<1x32x128xf32, #tpu.memory_space<vmem>>
      %dma_start3A_105 = tpu.memref_squeeze %dma_start3A_104 : memref<1x32x128xf32, #tpu.memory_space<vmem>> -> memref<32x128xf32, #tpu.memory_space<vmem>>
      %dma_start3A_106 = arith.constant 0 : i32
      %dma_start3A_107 = tpu.memref_slice %arg3[%dma_start3A_106, %multiple_of3A_94] : memref<32x1000000xf32, #tpu.memory_space<hbm>> -> memref<32x128xf32, #tpu.memory_space<hbm>>
      tpu.enqueue_dma source(%dma_start3A_107 : memref<32x128xf32, #tpu.memory_space<hbm>>) target(%dma_start3A_105 : memref<32x128xf32, #tpu.memory_space<vmem>>) target_semaphore(%arg8 : memref<!tpu.dma_semaphore, #tpu.memory_space<semaphore_mem>>)
      %slice3A_108 = vector.extract_strided_slice %get3A_11 {offsets = [5], sizes = [1], strides = [1]} : vector<16xi32> to vector<1xi32>
      %squeeze3A_109 = vector.extract %slice3A_108[0] : i32 from vector<1xi32>
      %shift_right_arithmetic3A_110 = arith.constant 7 : i32
      %shift_right_arithmetic3A_111 = arith.shrsi %squeeze3A_109, %shift_right_arithmetic3A_110 : i32
      %shift_left3A_112 = arith.constant 7 : i32
      %shift_left3A_113 = arith.shli %shift_right_arithmetic3A_111, %shift_left3A_112 : i32
      %multiple_of3A_114 = tpu.assume_multiple %shift_left3A_113, 128 : i32
      %dma_start3A_115 = arith.constant 5 : i32
      %dma_start3A_116 = arith.constant 0 : i32
      %dma_start3A_117 = arith.constant 0 : i32
      %dma_start3A_118 = tpu.memref_slice %arg6[%dma_start3A_115, %dma_start3A_116, %dma_start3A_117] : memref<16x32x128xf32, #tpu.memory_space<vmem>> -> memref<1x32x128xf32, #tpu.memory_space<vmem>>
      %dma_start3A_119 = tpu.memref_squeeze %dma_start3A_118 : memref<1x32x128xf32, #tpu.memory_space<vmem>> -> memref<32x128xf32, #tpu.memory_space<vmem>>
      %dma_start3A_120 = arith.constant 0 : i32
      %dma_start3A_121 = tpu.memref_slice %arg3[%dma_start3A_120, %multiple_of3A_114] : memref<32x1000000xf32, #tpu.memory_space<hbm>> -> memref<32x128xf32, #tpu.memory_space<hbm>>
      %dma_start3A_122 = arith.constant 0 : i32
      %dma_start3A_123 = arith.constant 0 : i32
      %dma_start3A_124 = tpu.memref_slice %arg6[%dma_start3A_115, %dma_start3A_122, %dma_start3A_123] : memref<16x32x128xf32, #tpu.memory_space<vmem>> -> memref<1x32x128xf32, #tpu.memory_space<vmem>>
      %dma_start3A_125 = tpu.memref_squeeze %dma_start3A_124 : memref<1x32x128xf32, #tpu.memory_space<vmem>> -> memref<32x128xf32, #tpu.memory_space<vmem>>
      %dma_start3A_126 = arith.constant 0 : i32
      %dma_start3A_127 = tpu.memref_slice %arg3[%dma_start3A_126, %multiple_of3A_114] : memref<32x1000000xf32, #tpu.memory_space<hbm>> -> memref<32x128xf32, #tpu.memory_space<hbm>>
      tpu.enqueue_dma source(%dma_start3A_127 : memref<32x128xf32, #tpu.memory_space<hbm>>) target(%dma_start3A_125 : memref<32x128xf32, #tpu.memory_space<vmem>>) target_semaphore(%arg8 : memref<!tpu.dma_semaphore, #tpu.memory_space<semaphore_mem>>)
      %slice3A_128 = vector.extract_strided_slice %get3A_11 {offsets = [6], sizes = [1], strides = [1]} : vector<16xi32> to vector<1xi32>
      %squeeze3A_129 = vector.extract %slice3A_128[0] : i32 from vector<1xi32>
      %shift_right_arithmetic3A_130 = arith.constant 7 : i32
      %shift_right_arithmetic3A_131 = arith.shrsi %squeeze3A_129, %shift_right_arithmetic3A_130 : i32
      %shift_left3A_132 = arith.constant 7 : i32
      %shift_left3A_133 = arith.shli %shift_right_arithmetic3A_131, %shift_left3A_132 : i32
      %multiple_of3A_134 = tpu.assume_multiple %shift_left3A_133, 128 : i32
      %dma_start3A_135 = arith.constant 6 : i32
      %dma_start3A_136 = arith.constant 0 : i32
      %dma_start3A_137 = arith.constant 0 : i32
      %dma_start3A_138 = tpu.memref_slice %arg6[%dma_start3A_135, %dma_start3A_136, %dma_start3A_137] : memref<16x32x128xf32, #tpu.memory_space<vmem>> -> memref<1x32x128xf32, #tpu.memory_space<vmem>>
      %dma_start3A_139 = tpu.memref_squeeze %dma_start3A_138 : memref<1x32x128xf32, #tpu.memory_space<vmem>> -> memref<32x128xf32, #tpu.memory_space<vmem>>
      %dma_start3A_140 = arith.constant 0 : i32
      %dma_start3A_141 = tpu.memref_slice %arg3[%dma_start3A_140, %multiple_of3A_134] : memref<32x1000000xf32, #tpu.memory_space<hbm>> -> memref<32x128xf32, #tpu.memory_space<hbm>>
      %dma_start3A_142 = arith.constant 0 : i32
      %dma_start3A_143 = arith.constant 0 : i32
      %dma_start3A_144 = tpu.memref_slice %arg6[%dma_start3A_135, %dma_start3A_142, %dma_start3A_143] : memref<16x32x128xf32, #tpu.memory_space<vmem>> -> memref<1x32x128xf32, #tpu.memory_space<vmem>>
      %dma_start3A_145 = tpu.memref_squeeze %dma_start3A_144 : memref<1x32x128xf32, #tpu.memory_space<vmem>> -> memref<32x128xf32, #tpu.memory_space<vmem>>
      %dma_start3A_146 = arith.constant 0 : i32
      %dma_start3A_147 = tpu.memref_slice %arg3[%dma_start3A_146, %multiple_of3A_134] : memref<32x1000000xf32, #tpu.memory_space<hbm>> -> memref<32x128xf32, #tpu.memory_space<hbm>>
      tpu.enqueue_dma source(%dma_start3A_147 : memref<32x128xf32, #tpu.memory_space<hbm>>) target(%dma_start3A_145 : memref<32x128xf32, #tpu.memory_space<vmem>>) target_semaphore(%arg8 : memref<!tpu.dma_semaphore, #tpu.memory_space<semaphore_mem>>)
      %slice3A_148 = vector.extract_strided_slice %get3A_11 {offsets = [7], sizes = [1], strides = [1]} : vector<16xi32> to vector<1xi32>
      %squeeze3A_149 = vector.extract %slice3A_148[0] : i32 from vector<1xi32>
      %shift_right_arithmetic3A_150 = arith.constant 7 : i32
      %shift_right_arithmetic3A_151 = arith.shrsi %squeeze3A_149, %shift_right_arithmetic3A_150 : i32
      %shift_left3A_152 = arith.constant 7 : i32
      %shift_left3A_153 = arith.shli %shift_right_arithmetic3A_151, %shift_left3A_152 : i32
      %multiple_of3A_154 = tpu.assume_multiple %shift_left3A_153, 128 : i32
      %dma_start3A_155 = arith.constant 7 : i32
      %dma_start3A_156 = arith.constant 0 : i32
      %dma_start3A_157 = arith.constant 0 : i32
      %dma_start3A_158 = tpu.memref_slice %arg6[%dma_start3A_155, %dma_start3A_156, %dma_start3A_157] : memref<16x32x128xf32, #tpu.memory_space<vmem>> -> memref<1x32x128xf32, #tpu.memory_space<vmem>>
      %dma_start3A_159 = tpu.memref_squeeze %dma_start3A_158 : memref<1x32x128xf32, #tpu.memory_space<vmem>> -> memref<32x128xf32, #tpu.memory_space<vmem>>
      %dma_start3A_160 = arith.constant 0 : i32
      %dma_start3A_161 = tpu.memref_slice %arg3[%dma_start3A_160, %multiple_of3A_154] : memref<32x1000000xf32, #tpu.memory_space<hbm>> -> memref<32x128xf32, #tpu.memory_space<hbm>>
      %dma_start3A_162 = arith.constant 0 : i32
      %dma_start3A_163 = arith.constant 0 : i32
      %dma_start3A_164 = tpu.memref_slice %arg6[%dma_start3A_155, %dma_start3A_162, %dma_start3A_163] : memref<16x32x128xf32, #tpu.memory_space<vmem>> -> memref<1x32x128xf32, #tpu.memory_space<vmem>>
      %dma_start3A_165 = tpu.memref_squeeze %dma_start3A_164 : memref<1x32x128xf32, #tpu.memory_space<vmem>> -> memref<32x128xf32, #tpu.memory_space<vmem>>
      %dma_start3A_166 = arith.constant 0 : i32
      %dma_start3A_167 = tpu.memref_slice %arg3[%dma_start3A_166, %multiple_of3A_154] : memref<32x1000000xf32, #tpu.memory_space<hbm>> -> memref<32x128xf32, #tpu.memory_space<hbm>>
      tpu.enqueue_dma source(%dma_start3A_167 : memref<32x128xf32, #tpu.memory_space<hbm>>) target(%dma_start3A_165 : memref<32x128xf32, #tpu.memory_space<vmem>>) target_semaphore(%arg8 : memref<!tpu.dma_semaphore, #tpu.memory_space<semaphore_mem>>)
      %slice3A_168 = vector.extract_strided_slice %get3A_11 {offsets = [8], sizes = [1], strides = [1]} : vector<16xi32> to vector<1xi32>
      %squeeze3A_169 = vector.extract %slice3A_168[0] : i32 from vector<1xi32>
      %shift_right_arithmetic3A_170 = arith.constant 7 : i32
      %shift_right_arithmetic3A_171 = arith.shrsi %squeeze3A_169, %shift_right_arithmetic3A_170 : i32
      %shift_left3A_172 = arith.constant 7 : i32
      %shift_left3A_173 = arith.shli %shift_right_arithmetic3A_171, %shift_left3A_172 : i32
      %multiple_of3A_174 = tpu.assume_multiple %shift_left3A_173, 128 : i32
      %dma_start3A_175 = arith.constant 8 : i32
      %dma_start3A_176 = arith.constant 0 : i32
      %dma_start3A_177 = arith.constant 0 : i32
      %dma_start3A_178 = tpu.memref_slice %arg6[%dma_start3A_175, %dma_start3A_176, %dma_start3A_177] : memref<16x32x128xf32, #tpu.memory_space<vmem>> -> memref<1x32x128xf32, #tpu.memory_space<vmem>>
      %dma_start3A_179 = tpu.memref_squeeze %dma_start3A_178 : memref<1x32x128xf32, #tpu.memory_space<vmem>> -> memref<32x128xf32, #tpu.memory_space<vmem>>
      %dma_start3A_180 = arith.constant 0 : i32
      %dma_start3A_181 = tpu.memref_slice %arg3[%dma_start3A_180, %multiple_of3A_174] : memref<32x1000000xf32, #tpu.memory_space<hbm>> -> memref<32x128xf32, #tpu.memory_space<hbm>>
      %dma_start3A_182 = arith.constant 0 : i32
      %dma_start3A_183 = arith.constant 0 : i32
      %dma_start3A_184 = tpu.memref_slice %arg6[%dma_start3A_175, %dma_start3A_182, %dma_start3A_183] : memref<16x32x128xf32, #tpu.memory_space<vmem>> -> memref<1x32x128xf32, #tpu.memory_space<vmem>>
      %dma_start3A_185 = tpu.memref_squeeze %dma_start3A_184 : memref<1x32x128xf32, #tpu.memory_space<vmem>> -> memref<32x128xf32, #tpu.memory_space<vmem>>
      %dma_start3A_186 = arith.constant 0 : i32
      %dma_start3A_187 = tpu.memref_slice %arg3[%dma_start3A_186, %multiple_of3A_174] : memref<32x1000000xf32, #tpu.memory_space<hbm>> -> memref<32x128xf32, #tpu.memory_space<hbm>>
      tpu.enqueue_dma source(%dma_start3A_187 : memref<32x128xf32, #tpu.memory_space<hbm>>) target(%dma_start3A_185 : memref<32x128xf32, #tpu.memory_space<vmem>>) target_semaphore(%arg8 : memref<!tpu.dma_semaphore, #tpu.memory_space<semaphore_mem>>)
      %slice3A_188 = vector.extract_strided_slice %get3A_11 {offsets = [9], sizes = [1], strides = [1]} : vector<16xi32> to vector<1xi32>
      %squeeze3A_189 = vector.extract %slice3A_188[0] : i32 from vector<1xi32>
      %shift_right_arithmetic3A_190 = arith.constant 7 : i32
      %shift_right_arithmetic3A_191 = arith.shrsi %squeeze3A_189, %shift_right_arithmetic3A_190 : i32
      %shift_left3A_192 = arith.constant 7 : i32
      %shift_left3A_193 = arith.shli %shift_right_arithmetic3A_191, %shift_left3A_192 : i32
      %multiple_of3A_194 = tpu.assume_multiple %shift_left3A_193, 128 : i32
      %dma_start3A_195 = arith.constant 9 : i32
      %dma_start3A_196 = arith.constant 0 : i32
      %dma_start3A_197 = arith.constant 0 : i32
      %dma_start3A_198 = tpu.memref_slice %arg6[%dma_start3A_195, %dma_start3A_196, %dma_start3A_197] : memref<16x32x128xf32, #tpu.memory_space<vmem>> -> memref<1x32x128xf32, #tpu.memory_space<vmem>>
      %dma_start3A_199 = tpu.memref_squeeze %dma_start3A_198 : memref<1x32x128xf32, #tpu.memory_space<vmem>> -> memref<32x128xf32, #tpu.memory_space<vmem>>
      %dma_start3A_200 = arith.constant 0 : i32
      %dma_start3A_201 = tpu.memref_slice %arg3[%dma_start3A_200, %multiple_of3A_194] : memref<32x1000000xf32, #tpu.memory_space<hbm>> -> memref<32x128xf32, #tpu.memory_space<hbm>>
      %dma_start3A_202 = arith.constant 0 : i32
      %dma_start3A_203 = arith.constant 0 : i32
      %dma_start3A_204 = tpu.memref_slice %arg6[%dma_start3A_195, %dma_start3A_202, %dma_start3A_203] : memref<16x32x128xf32, #tpu.memory_space<vmem>> -> memref<1x32x128xf32, #tpu.memory_space<vmem>>
      %dma_start3A_205 = tpu.memref_squeeze %dma_start3A_204 : memref<1x32x128xf32, #tpu.memory_space<vmem>> -> memref<32x128xf32, #tpu.memory_space<vmem>>
      %dma_start3A_206 = arith.constant 0 : i32
      %dma_start3A_207 = tpu.memref_slice %arg3[%dma_start3A_206, %multiple_of3A_194] : memref<32x1000000xf32, #tpu.memory_space<hbm>> -> memref<32x128xf32, #tpu.memory_space<hbm>>
      tpu.enqueue_dma source(%dma_start3A_207 : memref<32x128xf32, #tpu.memory_space<hbm>>) target(%dma_start3A_205 : memref<32x128xf32, #tpu.memory_space<vmem>>) target_semaphore(%arg8 : memref<!tpu.dma_semaphore, #tpu.memory_space<semaphore_mem>>)
      %slice3A_208 = vector.extract_strided_slice %get3A_11 {offsets = [10], sizes = [1], strides = [1]} : vector<16xi32> to vector<1xi32>
      %squeeze3A_209 = vector.extract %slice3A_208[0] : i32 from vector<1xi32>
      %shift_right_arithmetic3A_210 = arith.constant 7 : i32
      %shift_right_arithmetic3A_211 = arith.shrsi %squeeze3A_209, %shift_right_arithmetic3A_210 : i32
      %shift_left3A_212 = arith.constant 7 : i32
      %shift_left3A_213 = arith.shli %shift_right_arithmetic3A_211, %shift_left3A_212 : i32
      %multiple_of3A_214 = tpu.assume_multiple %shift_left3A_213, 128 : i32
      %dma_start3A_215 = arith.constant 10 : i32
      %dma_start3A_216 = arith.constant 0 : i32
      %dma_start3A_217 = arith.constant 0 : i32
      %dma_start3A_218 = tpu.memref_slice %arg6[%dma_start3A_215, %dma_start3A_216, %dma_start3A_217] : memref<16x32x128xf32, #tpu.memory_space<vmem>> -> memref<1x32x128xf32, #tpu.memory_space<vmem>>
      %dma_start3A_219 = tpu.memref_squeeze %dma_start3A_218 : memref<1x32x128xf32, #tpu.memory_space<vmem>> -> memref<32x128xf32, #tpu.memory_space<vmem>>
      %dma_start3A_220 = arith.constant 0 : i32
      %dma_start3A_221 = tpu.memref_slice %arg3[%dma_start3A_220, %multiple_of3A_214] : memref<32x1000000xf32, #tpu.memory_space<hbm>> -> memref<32x128xf32, #tpu.memory_space<hbm>>
      %dma_start3A_222 = arith.constant 0 : i32
      %dma_start3A_223 = arith.constant 0 : i32
      %dma_start3A_224 = tpu.memref_slice %arg6[%dma_start3A_215, %dma_start3A_222, %dma_start3A_223] : memref<16x32x128xf32, #tpu.memory_space<vmem>> -> memref<1x32x128xf32, #tpu.memory_space<vmem>>
      %dma_start3A_225 = tpu.memref_squeeze %dma_start3A_224 : memref<1x32x128xf32, #tpu.memory_space<vmem>> -> memref<32x128xf32, #tpu.memory_space<vmem>>
      %dma_start3A_226 = arith.constant 0 : i32
      %dma_start3A_227 = tpu.memref_slice %arg3[%dma_start3A_226, %multiple_of3A_214] : memref<32x1000000xf32, #tpu.memory_space<hbm>> -> memref<32x128xf32, #tpu.memory_space<hbm>>
      tpu.enqueue_dma source(%dma_start3A_227 : memref<32x128xf32, #tpu.memory_space<hbm>>) target(%dma_start3A_225 : memref<32x128xf32, #tpu.memory_space<vmem>>) target_semaphore(%arg8 : memref<!tpu.dma_semaphore, #tpu.memory_space<semaphore_mem>>)
      %slice3A_228 = vector.extract_strided_slice %get3A_11 {offsets = [11], sizes = [1], strides = [1]} : vector<16xi32> to vector<1xi32>
      %squeeze3A_229 = vector.extract %slice3A_228[0] : i32 from vector<1xi32>
      %shift_right_arithmetic3A_230 = arith.constant 7 : i32
      %shift_right_arithmetic3A_231 = arith.shrsi %squeeze3A_229, %shift_right_arithmetic3A_230 : i32
      %shift_left3A_232 = arith.constant 7 : i32
      %shift_left3A_233 = arith.shli %shift_right_arithmetic3A_231, %shift_left3A_232 : i32
      %multiple_of3A_234 = tpu.assume_multiple %shift_left3A_233, 128 : i32
      %dma_start3A_235 = arith.constant 11 : i32
      %dma_start3A_236 = arith.constant 0 : i32
      %dma_start3A_237 = arith.constant 0 : i32
      %dma_start3A_238 = tpu.memref_slice %arg6[%dma_start3A_235, %dma_start3A_236, %dma_start3A_237] : memref<16x32x128xf32, #tpu.memory_space<vmem>> -> memref<1x32x128xf32, #tpu.memory_space<vmem>>
      %dma_start3A_239 = tpu.memref_squeeze %dma_start3A_238 : memref<1x32x128xf32, #tpu.memory_space<vmem>> -> memref<32x128xf32, #tpu.memory_space<vmem>>
      %dma_start3A_240 = arith.constant 0 : i32
      %dma_start3A_241 = tpu.memref_slice %arg3[%dma_start3A_240, %multiple_of3A_234] : memref<32x1000000xf32, #tpu.memory_space<hbm>> -> memref<32x128xf32, #tpu.memory_space<hbm>>
      %dma_start3A_242 = arith.constant 0 : i32
      %dma_start3A_243 = arith.constant 0 : i32
      %dma_start3A_244 = tpu.memref_slice %arg6[%dma_start3A_235, %dma_start3A_242, %dma_start3A_243] : memref<16x32x128xf32, #tpu.memory_space<vmem>> -> memref<1x32x128xf32, #tpu.memory_space<vmem>>
      %dma_start3A_245 = tpu.memref_squeeze %dma_start3A_244 : memref<1x32x128xf32, #tpu.memory_space<vmem>> -> memref<32x128xf32, #tpu.memory_space<vmem>>
      %dma_start3A_246 = arith.constant 0 : i32
      %dma_start3A_247 = tpu.memref_slice %arg3[%dma_start3A_246, %multiple_of3A_234] : memref<32x1000000xf32, #tpu.memory_space<hbm>> -> memref<32x128xf32, #tpu.memory_space<hbm>>
      tpu.enqueue_dma source(%dma_start3A_247 : memref<32x128xf32, #tpu.memory_space<hbm>>) target(%dma_start3A_245 : memref<32x128xf32, #tpu.memory_space<vmem>>) target_semaphore(%arg8 : memref<!tpu.dma_semaphore, #tpu.memory_space<semaphore_mem>>)
      %slice3A_248 = vector.extract_strided_slice %get3A_11 {offsets = [12], sizes = [1], strides = [1]} : vector<16xi32> to vector<1xi32>
      %squeeze3A_249 = vector.extract %slice3A_248[0] : i32 from vector<1xi32>
      %shift_right_arithmetic3A_250 = arith.constant 7 : i32
      %shift_right_arithmetic3A_251 = arith.shrsi %squeeze3A_249, %shift_right_arithmetic3A_250 : i32
      %shift_left3A_252 = arith.constant 7 : i32
      %shift_left3A_253 = arith.shli %shift_right_arithmetic3A_251, %shift_left3A_252 : i32
      %multiple_of3A_254 = tpu.assume_multiple %shift_left3A_253, 128 : i32
      %dma_start3A_255 = arith.constant 12 : i32
      %dma_start3A_256 = arith.constant 0 : i32
      %dma_start3A_257 = arith.constant 0 : i32
      %dma_start3A_258 = tpu.memref_slice %arg6[%dma_start3A_255, %dma_start3A_256, %dma_start3A_257] : memref<16x32x128xf32, #tpu.memory_space<vmem>> -> memref<1x32x128xf32, #tpu.memory_space<vmem>>
      %dma_start3A_259 = tpu.memref_squeeze %dma_start3A_258 : memref<1x32x128xf32, #tpu.memory_space<vmem>> -> memref<32x128xf32, #tpu.memory_space<vmem>>
      %dma_start3A_260 = arith.constant 0 : i32
      %dma_start3A_261 = tpu.memref_slice %arg3[%dma_start3A_260, %multiple_of3A_254] : memref<32x1000000xf32, #tpu.memory_space<hbm>> -> memref<32x128xf32, #tpu.memory_space<hbm>>
      %dma_start3A_262 = arith.constant 0 : i32
      %dma_start3A_263 = arith.constant 0 : i32
      %dma_start3A_264 = tpu.memref_slice %arg6[%dma_start3A_255, %dma_start3A_262, %dma_start3A_263] : memref<16x32x128xf32, #tpu.memory_space<vmem>> -> memref<1x32x128xf32, #tpu.memory_space<vmem>>
      %dma_start3A_265 = tpu.memref_squeeze %dma_start3A_264 : memref<1x32x128xf32, #tpu.memory_space<vmem>> -> memref<32x128xf32, #tpu.memory_space<vmem>>
      %dma_start3A_266 = arith.constant 0 : i32
      %dma_start3A_267 = tpu.memref_slice %arg3[%dma_start3A_266, %multiple_of3A_254] : memref<32x1000000xf32, #tpu.memory_space<hbm>> -> memref<32x128xf32, #tpu.memory_space<hbm>>
      tpu.enqueue_dma source(%dma_start3A_267 : memref<32x128xf32, #tpu.memory_space<hbm>>) target(%dma_start3A_265 : memref<32x128xf32, #tpu.memory_space<vmem>>) target_semaphore(%arg8 : memref<!tpu.dma_semaphore, #tpu.memory_space<semaphore_mem>>)
      %slice3A_268 = vector.extract_strided_slice %get3A_11 {offsets = [13], sizes = [1], strides = [1]} : vector<16xi32> to vector<1xi32>
      %squeeze3A_269 = vector.extract %slice3A_268[0] : i32 from vector<1xi32>
      %shift_right_arithmetic3A_270 = arith.constant 7 : i32
      %shift_right_arithmetic3A_271 = arith.shrsi %squeeze3A_269, %shift_right_arithmetic3A_270 : i32
      %shift_left3A_272 = arith.constant 7 : i32
      %shift_left3A_273 = arith.shli %shift_right_arithmetic3A_271, %shift_left3A_272 : i32
      %multiple_of3A_274 = tpu.assume_multiple %shift_left3A_273, 128 : i32
      %dma_start3A_275 = arith.constant 13 : i32
      %dma_start3A_276 = arith.constant 0 : i32
      %dma_start3A_277 = arith.constant 0 : i32
      %dma_start3A_278 = tpu.memref_slice %arg6[%dma_start3A_275, %dma_start3A_276, %dma_start3A_277] : memref<16x32x128xf32, #tpu.memory_space<vmem>> -> memref<1x32x128xf32, #tpu.memory_space<vmem>>
      %dma_start3A_279 = tpu.memref_squeeze %dma_start3A_278 : memref<1x32x128xf32, #tpu.memory_space<vmem>> -> memref<32x128xf32, #tpu.memory_space<vmem>>
      %dma_start3A_280 = arith.constant 0 : i32
      %dma_start3A_281 = tpu.memref_slice %arg3[%dma_start3A_280, %multiple_of3A_274] : memref<32x1000000xf32, #tpu.memory_space<hbm>> -> memref<32x128xf32, #tpu.memory_space<hbm>>
      %dma_start3A_282 = arith.constant 0 : i32
      %dma_start3A_283 = arith.constant 0 : i32
      %dma_start3A_284 = tpu.memref_slice %arg6[%dma_start3A_275, %dma_start3A_282, %dma_start3A_283] : memref<16x32x128xf32, #tpu.memory_space<vmem>> -> memref<1x32x128xf32, #tpu.memory_space<vmem>>
      %dma_start3A_285 = tpu.memref_squeeze %dma_start3A_284 : memref<1x32x128xf32, #tpu.memory_space<vmem>> -> memref<32x128xf32, #tpu.memory_space<vmem>>
      %dma_start3A_286 = arith.constant 0 : i32
      %dma_start3A_287 = tpu.memref_slice %arg3[%dma_start3A_286, %multiple_of3A_274] : memref<32x1000000xf32, #tpu.memory_space<hbm>> -> memref<32x128xf32, #tpu.memory_space<hbm>>
      tpu.enqueue_dma source(%dma_start3A_287 : memref<32x128xf32, #tpu.memory_space<hbm>>) target(%dma_start3A_285 : memref<32x128xf32, #tpu.memory_space<vmem>>) target_semaphore(%arg8 : memref<!tpu.dma_semaphore, #tpu.memory_space<semaphore_mem>>)
      %slice3A_288 = vector.extract_strided_slice %get3A_11 {offsets = [14], sizes = [1], strides = [1]} : vector<16xi32> to vector<1xi32>
      %squeeze3A_289 = vector.extract %slice3A_288[0] : i32 from vector<1xi32>
      %shift_right_arithmetic3A_290 = arith.constant 7 : i32
      %shift_right_arithmetic3A_291 = arith.shrsi %squeeze3A_289, %shift_right_arithmetic3A_290 : i32
      %shift_left3A_292 = arith.constant 7 : i32
      %shift_left3A_293 = arith.shli %shift_right_arithmetic3A_291, %shift_left3A_292 : i32
      %multiple_of3A_294 = tpu.assume_multiple %shift_left3A_293, 128 : i32
      %dma_start3A_295 = arith.constant 14 : i32
      %dma_start3A_296 = arith.constant 0 : i32
      %dma_start3A_297 = arith.constant 0 : i32
      %dma_start3A_298 = tpu.memref_slice %arg6[%dma_start3A_295, %dma_start3A_296, %dma_start3A_297] : memref<16x32x128xf32, #tpu.memory_space<vmem>> -> memref<1x32x128xf32, #tpu.memory_space<vmem>>
      %dma_start3A_299 = tpu.memref_squeeze %dma_start3A_298 : memref<1x32x128xf32, #tpu.memory_space<vmem>> -> memref<32x128xf32, #tpu.memory_space<vmem>>
      %dma_start3A_300 = arith.constant 0 : i32
      %dma_start3A_301 = tpu.memref_slice %arg3[%dma_start3A_300, %multiple_of3A_294] : memref<32x1000000xf32, #tpu.memory_space<hbm>> -> memref<32x128xf32, #tpu.memory_space<hbm>>
      %dma_start3A_302 = arith.constant 0 : i32
      %dma_start3A_303 = arith.constant 0 : i32
      %dma_start3A_304 = tpu.memref_slice %arg6[%dma_start3A_295, %dma_start3A_302, %dma_start3A_303] : memref<16x32x128xf32, #tpu.memory_space<vmem>> -> memref<1x32x128xf32, #tpu.memory_space<vmem>>
      %dma_start3A_305 = tpu.memref_squeeze %dma_start3A_304 : memref<1x32x128xf32, #tpu.memory_space<vmem>> -> memref<32x128xf32, #tpu.memory_space<vmem>>
      %dma_start3A_306 = arith.constant 0 : i32
      %dma_start3A_307 = tpu.memref_slice %arg3[%dma_start3A_306, %multiple_of3A_294] : memref<32x1000000xf32, #tpu.memory_space<hbm>> -> memref<32x128xf32, #tpu.memory_space<hbm>>
      tpu.enqueue_dma source(%dma_start3A_307 : memref<32x128xf32, #tpu.memory_space<hbm>>) target(%dma_start3A_305 : memref<32x128xf32, #tpu.memory_space<vmem>>) target_semaphore(%arg8 : memref<!tpu.dma_semaphore, #tpu.memory_space<semaphore_mem>>)
      %slice3A_308 = vector.extract_strided_slice %get3A_11 {offsets = [15], sizes = [1], strides = [1]} : vector<16xi32> to vector<1xi32>
      %squeeze3A_309 = vector.extract %slice3A_308[0] : i32 from vector<1xi32>
      %shift_right_arithmetic3A_310 = arith.constant 7 : i32
      %shift_right_arithmetic3A_311 = arith.shrsi %squeeze3A_309, %shift_right_arithmetic3A_310 : i32
      %shift_left3A_312 = arith.constant 7 : i32
      %shift_left3A_313 = arith.shli %shift_right_arithmetic3A_311, %shift_left3A_312 : i32
      %multiple_of3A_314 = tpu.assume_multiple %shift_left3A_313, 128 : i32
      %dma_start3A_315 = arith.constant 15 : i32
      %dma_start3A_316 = arith.constant 0 : i32
      %dma_start3A_317 = arith.constant 0 : i32
      %dma_start3A_318 = tpu.memref_slice %arg6[%dma_start3A_315, %dma_start3A_316, %dma_start3A_317] : memref<16x32x128xf32, #tpu.memory_space<vmem>> -> memref<1x32x128xf32, #tpu.memory_space<vmem>>
      %dma_start3A_319 = tpu.memref_squeeze %dma_start3A_318 : memref<1x32x128xf32, #tpu.memory_space<vmem>> -> memref<32x128xf32, #tpu.memory_space<vmem>>
      %dma_start3A_320 = arith.constant 0 : i32
      %dma_start3A_321 = tpu.memref_slice %arg3[%dma_start3A_320, %multiple_of3A_314] : memref<32x1000000xf32, #tpu.memory_space<hbm>> -> memref<32x128xf32, #tpu.memory_space<hbm>>
      %dma_start3A_322 = arith.constant 0 : i32
      %dma_start3A_323 = arith.constant 0 : i32
      %dma_start3A_324 = tpu.memref_slice %arg6[%dma_start3A_315, %dma_start3A_322, %dma_start3A_323] : memref<16x32x128xf32, #tpu.memory_space<vmem>> -> memref<1x32x128xf32, #tpu.memory_space<vmem>>
      %dma_start3A_325 = tpu.memref_squeeze %dma_start3A_324 : memref<1x32x128xf32, #tpu.memory_space<vmem>> -> memref<32x128xf32, #tpu.memory_space<vmem>>
      %dma_start3A_326 = arith.constant 0 : i32
      %dma_start3A_327 = tpu.memref_slice %arg3[%dma_start3A_326, %multiple_of3A_314] : memref<32x1000000xf32, #tpu.memory_space<hbm>> -> memref<32x128xf32, #tpu.memory_space<hbm>>
      tpu.enqueue_dma source(%dma_start3A_327 : memref<32x128xf32, #tpu.memory_space<hbm>>) target(%dma_start3A_325 : memref<32x128xf32, #tpu.memory_space<vmem>>) target_semaphore(%arg8 : memref<!tpu.dma_semaphore, #tpu.memory_space<semaphore_mem>>)
      %dma_wait3A = arith.constant 0 : i32
      %dma_wait3A_328 = arith.constant 0 : i32
      %dma_wait3A_329 = arith.constant 0 : i32
      %dma_wait3A_330 = tpu.memref_slice %arg6[%dma_wait3A, %dma_wait3A_328, %dma_wait3A_329] : memref<16x32x128xf32, #tpu.memory_space<vmem>> -> memref<1x32x128xf32, #tpu.memory_space<vmem>>
      %dma_wait3A_331 = tpu.memref_squeeze %dma_wait3A_330 : memref<1x32x128xf32, #tpu.memory_space<vmem>> -> memref<32x128xf32, #tpu.memory_space<vmem>>
      %dma_wait3A_332 = arith.constant 0 : i32
      %dma_wait3A_333 = tpu.memref_slice %arg3[%dma_wait3A_332, %multiple_of3A] : memref<32x1000000xf32, #tpu.memory_space<hbm>> -> memref<32x128xf32, #tpu.memory_space<hbm>>
      %dma_wait3A_334 = arith.constant 0 : i32
      %dma_wait3A_335 = arith.constant 0 : i32
      %dma_wait3A_336 = tpu.memref_slice %arg6[%dma_wait3A, %dma_wait3A_334, %dma_wait3A_335] : memref<16x32x128xf32, #tpu.memory_space<vmem>> -> memref<1x32x128xf32, #tpu.memory_space<vmem>>
      %dma_wait3A_337 = tpu.memref_squeeze %dma_wait3A_336 : memref<1x32x128xf32, #tpu.memory_space<vmem>> -> memref<32x128xf32, #tpu.memory_space<vmem>>
      %dma_wait3A_338 = arith.constant 0 : i32
      %dma_wait3A_339 = tpu.memref_slice %arg3[%dma_wait3A_338, %multiple_of3A] : memref<32x1000000xf32, #tpu.memory_space<hbm>> -> memref<32x128xf32, #tpu.memory_space<hbm>>
      tpu.wait_dma2 semaphore(%arg8 : memref<!tpu.dma_semaphore, #tpu.memory_space<semaphore_mem>>) src(%dma_wait3A_339 : memref<32x128xf32, #tpu.memory_space<hbm>>) dst(%dma_wait3A_337 : memref<32x128xf32, #tpu.memory_space<vmem>>)
      %dma_wait3A_340 = arith.constant 1 : i32
      %dma_wait3A_341 = arith.constant 0 : i32
      %dma_wait3A_342 = arith.constant 0 : i32
      %dma_wait3A_343 = tpu.memref_slice %arg6[%dma_wait3A_340, %dma_wait3A_341, %dma_wait3A_342] : memref<16x32x128xf32, #tpu.memory_space<vmem>> -> memref<1x32x128xf32, #tpu.memory_space<vmem>>
      %dma_wait3A_344 = tpu.memref_squeeze %dma_wait3A_343 : memref<1x32x128xf32, #tpu.memory_space<vmem>> -> memref<32x128xf32, #tpu.memory_space<vmem>>
      %dma_wait3A_345 = arith.constant 0 : i32
      %dma_wait3A_346 = tpu.memref_slice %arg3[%dma_wait3A_345, %multiple_of3A_34] : memref<32x1000000xf32, #tpu.memory_space<hbm>> -> memref<32x128xf32, #tpu.memory_space<hbm>>
      %dma_wait3A_347 = arith.constant 0 : i32
      %dma_wait3A_348 = arith.constant 0 : i32
      %dma_wait3A_349 = tpu.memref_slice %arg6[%dma_wait3A_340, %dma_wait3A_347, %dma_wait3A_348] : memref<16x32x128xf32, #tpu.memory_space<vmem>> -> memref<1x32x128xf32, #tpu.memory_space<vmem>>
      %dma_wait3A_350 = tpu.memref_squeeze %dma_wait3A_349 : memref<1x32x128xf32, #tpu.memory_space<vmem>> -> memref<32x128xf32, #tpu.memory_space<vmem>>
      %dma_wait3A_351 = arith.constant 0 : i32
      %dma_wait3A_352 = tpu.memref_slice %arg3[%dma_wait3A_351, %multiple_of3A_34] : memref<32x1000000xf32, #tpu.memory_space<hbm>> -> memref<32x128xf32, #tpu.memory_space<hbm>>
      tpu.wait_dma2 semaphore(%arg8 : memref<!tpu.dma_semaphore, #tpu.memory_space<semaphore_mem>>) src(%dma_wait3A_352 : memref<32x128xf32, #tpu.memory_space<hbm>>) dst(%dma_wait3A_350 : memref<32x128xf32, #tpu.memory_space<vmem>>)
      %dma_wait3A_353 = arith.constant 2 : i32
      %dma_wait3A_354 = arith.constant 0 : i32
      %dma_wait3A_355 = arith.constant 0 : i32
      %dma_wait3A_356 = tpu.memref_slice %arg6[%dma_wait3A_353, %dma_wait3A_354, %dma_wait3A_355] : memref<16x32x128xf32, #tpu.memory_space<vmem>> -> memref<1x32x128xf32, #tpu.memory_space<vmem>>
      %dma_wait3A_357 = tpu.memref_squeeze %dma_wait3A_356 : memref<1x32x128xf32, #tpu.memory_space<vmem>> -> memref<32x128xf32, #tpu.memory_space<vmem>>
      %dma_wait3A_358 = arith.constant 0 : i32
      %dma_wait3A_359 = tpu.memref_slice %arg3[%dma_wait3A_358, %multiple_of3A_54] : memref<32x1000000xf32, #tpu.memory_space<hbm>> -> memref<32x128xf32, #tpu.memory_space<hbm>>
      %dma_wait3A_360 = arith.constant 0 : i32
      %dma_wait3A_361 = arith.constant 0 : i32
      %dma_wait3A_362 = tpu.memref_slice %arg6[%dma_wait3A_353, %dma_wait3A_360, %dma_wait3A_361] : memref<16x32x128xf32, #tpu.memory_space<vmem>> -> memref<1x32x128xf32, #tpu.memory_space<vmem>>
      %dma_wait3A_363 = tpu.memref_squeeze %dma_wait3A_362 : memref<1x32x128xf32, #tpu.memory_space<vmem>> -> memref<32x128xf32, #tpu.memory_space<vmem>>
      %dma_wait3A_364 = arith.constant 0 : i32
      %dma_wait3A_365 = tpu.memref_slice %arg3[%dma_wait3A_364, %multiple_of3A_54] : memref<32x1000000xf32, #tpu.memory_space<hbm>> -> memref<32x128xf32, #tpu.memory_space<hbm>>
      tpu.wait_dma2 semaphore(%arg8 : memref<!tpu.dma_semaphore, #tpu.memory_space<semaphore_mem>>) src(%dma_wait3A_365 : memref<32x128xf32, #tpu.memory_space<hbm>>) dst(%dma_wait3A_363 : memref<32x128xf32, #tpu.memory_space<vmem>>)
      %dma_wait3A_366 = arith.constant 3 : i32
      %dma_wait3A_367 = arith.constant 0 : i32
      %dma_wait3A_368 = arith.constant 0 : i32
      %dma_wait3A_369 = tpu.memref_slice %arg6[%dma_wait3A_366, %dma_wait3A_367, %dma_wait3A_368] : memref<16x32x128xf32, #tpu.memory_space<vmem>> -> memref<1x32x128xf32, #tpu.memory_space<vmem>>
      %dma_wait3A_370 = tpu.memref_squeeze %dma_wait3A_369 : memref<1x32x128xf32, #tpu.memory_space<vmem>> -> memref<32x128xf32, #tpu.memory_space<vmem>>
      %dma_wait3A_371 = arith.constant 0 : i32
      %dma_wait3A_372 = tpu.memref_slice %arg3[%dma_wait3A_371, %multiple_of3A_74] : memref<32x1000000xf32, #tpu.memory_space<hbm>> -> memref<32x128xf32, #tpu.memory_space<hbm>>
      %dma_wait3A_373 = arith.constant 0 : i32
      %dma_wait3A_374 = arith.constant 0 : i32
      %dma_wait3A_375 = tpu.memref_slice %arg6[%dma_wait3A_366, %dma_wait3A_373, %dma_wait3A_374] : memref<16x32x128xf32, #tpu.memory_space<vmem>> -> memref<1x32x128xf32, #tpu.memory_space<vmem>>
      %dma_wait3A_376 = tpu.memref_squeeze %dma_wait3A_375 : memref<1x32x128xf32, #tpu.memory_space<vmem>> -> memref<32x128xf32, #tpu.memory_space<vmem>>
      %dma_wait3A_377 = arith.constant 0 : i32
      %dma_wait3A_378 = tpu.memref_slice %arg3[%dma_wait3A_377, %multiple_of3A_74] : memref<32x1000000xf32, #tpu.memory_space<hbm>> -> memref<32x128xf32, #tpu.memory_space<hbm>>
      tpu.wait_dma2 semaphore(%arg8 : memref<!tpu.dma_semaphore, #tpu.memory_space<semaphore_mem>>) src(%dma_wait3A_378 : memref<32x128xf32, #tpu.memory_space<hbm>>) dst(%dma_wait3A_376 : memref<32x128xf32, #tpu.memory_space<vmem>>)
      %dma_wait3A_379 = arith.constant 4 : i32
      %dma_wait3A_380 = arith.constant 0 : i32
      %dma_wait3A_381 = arith.constant 0 : i32
      %dma_wait3A_382 = tpu.memref_slice %arg6[%dma_wait3A_379, %dma_wait3A_380, %dma_wait3A_381] : memref<16x32x128xf32, #tpu.memory_space<vmem>> -> memref<1x32x128xf32, #tpu.memory_space<vmem>>
      %dma_wait3A_383 = tpu.memref_squeeze %dma_wait3A_382 : memref<1x32x128xf32, #tpu.memory_space<vmem>> -> memref<32x128xf32, #tpu.memory_space<vmem>>
      %dma_wait3A_384 = arith.constant 0 : i32
      %dma_wait3A_385 = tpu.memref_slice %arg3[%dma_wait3A_384, %multiple_of3A_94] : memref<32x1000000xf32, #tpu.memory_space<hbm>> -> memref<32x128xf32, #tpu.memory_space<hbm>>
      %dma_wait3A_386 = arith.constant 0 : i32
      %dma_wait3A_387 = arith.constant 0 : i32
      %dma_wait3A_388 = tpu.memref_slice %arg6[%dma_wait3A_379, %dma_wait3A_386, %dma_wait3A_387] : memref<16x32x128xf32, #tpu.memory_space<vmem>> -> memref<1x32x128xf32, #tpu.memory_space<vmem>>
      %dma_wait3A_389 = tpu.memref_squeeze %dma_wait3A_388 : memref<1x32x128xf32, #tpu.memory_space<vmem>> -> memref<32x128xf32, #tpu.memory_space<vmem>>
      %dma_wait3A_390 = arith.constant 0 : i32
      %dma_wait3A_391 = tpu.memref_slice %arg3[%dma_wait3A_390, %multiple_of3A_94] : memref<32x1000000xf32, #tpu.memory_space<hbm>> -> memref<32x128xf32, #tpu.memory_space<hbm>>
      tpu.wait_dma2 semaphore(%arg8 : memref<!tpu.dma_semaphore, #tpu.memory_space<semaphore_mem>>) src(%dma_wait3A_391 : memref<32x128xf32, #tpu.memory_space<hbm>>) dst(%dma_wait3A_389 : memref<32x128xf32, #tpu.memory_space<vmem>>)
      %dma_wait3A_392 = arith.constant 5 : i32
      %dma_wait3A_393 = arith.constant 0 : i32
      %dma_wait3A_394 = arith.constant 0 : i32
      %dma_wait3A_395 = tpu.memref_slice %arg6[%dma_wait3A_392, %dma_wait3A_393, %dma_wait3A_394] : memref<16x32x128xf32, #tpu.memory_space<vmem>> -> memref<1x32x128xf32, #tpu.memory_space<vmem>>
      %dma_wait3A_396 = tpu.memref_squeeze %dma_wait3A_395 : memref<1x32x128xf32, #tpu.memory_space<vmem>> -> memref<32x128xf32, #tpu.memory_space<vmem>>
      %dma_wait3A_397 = arith.constant 0 : i32
      %dma_wait3A_398 = tpu.memref_slice %arg3[%dma_wait3A_397, %multiple_of3A_114] : memref<32x1000000xf32, #tpu.memory_space<hbm>> -> memref<32x128xf32, #tpu.memory_space<hbm>>
      %dma_wait3A_399 = arith.constant 0 : i32
      %dma_wait3A_400 = arith.constant 0 : i32
      %dma_wait3A_401 = tpu.memref_slice %arg6[%dma_wait3A_392, %dma_wait3A_399, %dma_wait3A_400] : memref<16x32x128xf32, #tpu.memory_space<vmem>> -> memref<1x32x128xf32, #tpu.memory_space<vmem>>
      %dma_wait3A_402 = tpu.memref_squeeze %dma_wait3A_401 : memref<1x32x128xf32, #tpu.memory_space<vmem>> -> memref<32x128xf32, #tpu.memory_space<vmem>>
      %dma_wait3A_403 = arith.constant 0 : i32
      %dma_wait3A_404 = tpu.memref_slice %arg3[%dma_wait3A_403, %multiple_of3A_114] : memref<32x1000000xf32, #tpu.memory_space<hbm>> -> memref<32x128xf32, #tpu.memory_space<hbm>>
      tpu.wait_dma2 semaphore(%arg8 : memref<!tpu.dma_semaphore, #tpu.memory_space<semaphore_mem>>) src(%dma_wait3A_404 : memref<32x128xf32, #tpu.memory_space<hbm>>) dst(%dma_wait3A_402 : memref<32x128xf32, #tpu.memory_space<vmem>>)
      %dma_wait3A_405 = arith.constant 6 : i32
      %dma_wait3A_406 = arith.constant 0 : i32
      %dma_wait3A_407 = arith.constant 0 : i32
      %dma_wait3A_408 = tpu.memref_slice %arg6[%dma_wait3A_405, %dma_wait3A_406, %dma_wait3A_407] : memref<16x32x128xf32, #tpu.memory_space<vmem>> -> memref<1x32x128xf32, #tpu.memory_space<vmem>>
      %dma_wait3A_409 = tpu.memref_squeeze %dma_wait3A_408 : memref<1x32x128xf32, #tpu.memory_space<vmem>> -> memref<32x128xf32, #tpu.memory_space<vmem>>
      %dma_wait3A_410 = arith.constant 0 : i32
      %dma_wait3A_411 = tpu.memref_slice %arg3[%dma_wait3A_410, %multiple_of3A_134] : memref<32x1000000xf32, #tpu.memory_space<hbm>> -> memref<32x128xf32, #tpu.memory_space<hbm>>
      %dma_wait3A_412 = arith.constant 0 : i32
      %dma_wait3A_413 = arith.constant 0 : i32
      %dma_wait3A_414 = tpu.memref_slice %arg6[%dma_wait3A_405, %dma_wait3A_412, %dma_wait3A_413] : memref<16x32x128xf32, #tpu.memory_space<vmem>> -> memref<1x32x128xf32, #tpu.memory_space<vmem>>
      %dma_wait3A_415 = tpu.memref_squeeze %dma_wait3A_414 : memref<1x32x128xf32, #tpu.memory_space<vmem>> -> memref<32x128xf32, #tpu.memory_space<vmem>>
      %dma_wait3A_416 = arith.constant 0 : i32
      %dma_wait3A_417 = tpu.memref_slice %arg3[%dma_wait3A_416, %multiple_of3A_134] : memref<32x1000000xf32, #tpu.memory_space<hbm>> -> memref<32x128xf32, #tpu.memory_space<hbm>>
      tpu.wait_dma2 semaphore(%arg8 : memref<!tpu.dma_semaphore, #tpu.memory_space<semaphore_mem>>) src(%dma_wait3A_417 : memref<32x128xf32, #tpu.memory_space<hbm>>) dst(%dma_wait3A_415 : memref<32x128xf32, #tpu.memory_space<vmem>>)
      %dma_wait3A_418 = arith.constant 7 : i32
      %dma_wait3A_419 = arith.constant 0 : i32
      %dma_wait3A_420 = arith.constant 0 : i32
      %dma_wait3A_421 = tpu.memref_slice %arg6[%dma_wait3A_418, %dma_wait3A_419, %dma_wait3A_420] : memref<16x32x128xf32, #tpu.memory_space<vmem>> -> memref<1x32x128xf32, #tpu.memory_space<vmem>>
      %dma_wait3A_422 = tpu.memref_squeeze %dma_wait3A_421 : memref<1x32x128xf32, #tpu.memory_space<vmem>> -> memref<32x128xf32, #tpu.memory_space<vmem>>
      %dma_wait3A_423 = arith.constant 0 : i32
      %dma_wait3A_424 = tpu.memref_slice %arg3[%dma_wait3A_423, %multiple_of3A_154] : memref<32x1000000xf32, #tpu.memory_space<hbm>> -> memref<32x128xf32, #tpu.memory_space<hbm>>
      %dma_wait3A_425 = arith.constant 0 : i32
      %dma_wait3A_426 = arith.constant 0 : i32
      %dma_wait3A_427 = tpu.memref_slice %arg6[%dma_wait3A_418, %dma_wait3A_425, %dma_wait3A_426] : memref<16x32x128xf32, #tpu.memory_space<vmem>> -> memref<1x32x128xf32, #tpu.memory_space<vmem>>
      %dma_wait3A_428 = tpu.memref_squeeze %dma_wait3A_427 : memref<1x32x128xf32, #tpu.memory_space<vmem>> -> memref<32x128xf32, #tpu.memory_space<vmem>>
      %dma_wait3A_429 = arith.constant 0 : i32
      %dma_wait3A_430 = tpu.memref_slice %arg3[%dma_wait3A_429, %multiple_of3A_154] : memref<32x1000000xf32, #tpu.memory_space<hbm>> -> memref<32x128xf32, #tpu.memory_space<hbm>>
      tpu.wait_dma2 semaphore(%arg8 : memref<!tpu.dma_semaphore, #tpu.memory_space<semaphore_mem>>) src(%dma_wait3A_430 : memref<32x128xf32, #tpu.memory_space<hbm>>) dst(%dma_wait3A_428 : memref<32x128xf32, #tpu.memory_space<vmem>>)
      %dma_wait3A_431 = arith.constant 8 : i32
      %dma_wait3A_432 = arith.constant 0 : i32
      %dma_wait3A_433 = arith.constant 0 : i32
      %dma_wait3A_434 = tpu.memref_slice %arg6[%dma_wait3A_431, %dma_wait3A_432, %dma_wait3A_433] : memref<16x32x128xf32, #tpu.memory_space<vmem>> -> memref<1x32x128xf32, #tpu.memory_space<vmem>>
      %dma_wait3A_435 = tpu.memref_squeeze %dma_wait3A_434 : memref<1x32x128xf32, #tpu.memory_space<vmem>> -> memref<32x128xf32, #tpu.memory_space<vmem>>
      %dma_wait3A_436 = arith.constant 0 : i32
      %dma_wait3A_437 = tpu.memref_slice %arg3[%dma_wait3A_436, %multiple_of3A_174] : memref<32x1000000xf32, #tpu.memory_space<hbm>> -> memref<32x128xf32, #tpu.memory_space<hbm>>
      %dma_wait3A_438 = arith.constant 0 : i32
      %dma_wait3A_439 = arith.constant 0 : i32
      %dma_wait3A_440 = tpu.memref_slice %arg6[%dma_wait3A_431, %dma_wait3A_438, %dma_wait3A_439] : memref<16x32x128xf32, #tpu.memory_space<vmem>> -> memref<1x32x128xf32, #tpu.memory_space<vmem>>
      %dma_wait3A_441 = tpu.memref_squeeze %dma_wait3A_440 : memref<1x32x128xf32, #tpu.memory_space<vmem>> -> memref<32x128xf32, #tpu.memory_space<vmem>>
      %dma_wait3A_442 = arith.constant 0 : i32
      %dma_wait3A_443 = tpu.memref_slice %arg3[%dma_wait3A_442, %multiple_of3A_174] : memref<32x1000000xf32, #tpu.memory_space<hbm>> -> memref<32x128xf32, #tpu.memory_space<hbm>>
      tpu.wait_dma2 semaphore(%arg8 : memref<!tpu.dma_semaphore, #tpu.memory_space<semaphore_mem>>) src(%dma_wait3A_443 : memref<32x128xf32, #tpu.memory_space<hbm>>) dst(%dma_wait3A_441 : memref<32x128xf32, #tpu.memory_space<vmem>>)
      %dma_wait3A_444 = arith.constant 9 : i32
      %dma_wait3A_445 = arith.constant 0 : i32
      %dma_wait3A_446 = arith.constant 0 : i32
      %dma_wait3A_447 = tpu.memref_slice %arg6[%dma_wait3A_444, %dma_wait3A_445, %dma_wait3A_446] : memref<16x32x128xf32, #tpu.memory_space<vmem>> -> memref<1x32x128xf32, #tpu.memory_space<vmem>>
      %dma_wait3A_448 = tpu.memref_squeeze %dma_wait3A_447 : memref<1x32x128xf32, #tpu.memory_space<vmem>> -> memref<32x128xf32, #tpu.memory_space<vmem>>
      %dma_wait3A_449 = arith.constant 0 : i32
      %dma_wait3A_450 = tpu.memref_slice %arg3[%dma_wait3A_449, %multiple_of3A_194] : memref<32x1000000xf32, #tpu.memory_space<hbm>> -> memref<32x128xf32, #tpu.memory_space<hbm>>
      %dma_wait3A_451 = arith.constant 0 : i32
      %dma_wait3A_452 = arith.constant 0 : i32
      %dma_wait3A_453 = tpu.memref_slice %arg6[%dma_wait3A_444, %dma_wait3A_451, %dma_wait3A_452] : memref<16x32x128xf32, #tpu.memory_space<vmem>> -> memref<1x32x128xf32, #tpu.memory_space<vmem>>
      %dma_wait3A_454 = tpu.memref_squeeze %dma_wait3A_453 : memref<1x32x128xf32, #tpu.memory_space<vmem>> -> memref<32x128xf32, #tpu.memory_space<vmem>>
      %dma_wait3A_455 = arith.constant 0 : i32
      %dma_wait3A_456 = tpu.memref_slice %arg3[%dma_wait3A_455, %multiple_of3A_194] : memref<32x1000000xf32, #tpu.memory_space<hbm>> -> memref<32x128xf32, #tpu.memory_space<hbm>>
      tpu.wait_dma2 semaphore(%arg8 : memref<!tpu.dma_semaphore, #tpu.memory_space<semaphore_mem>>) src(%dma_wait3A_456 : memref<32x128xf32, #tpu.memory_space<hbm>>) dst(%dma_wait3A_454 : memref<32x128xf32, #tpu.memory_space<vmem>>)
      %dma_wait3A_457 = arith.constant 10 : i32
      %dma_wait3A_458 = arith.constant 0 : i32
      %dma_wait3A_459 = arith.constant 0 : i32
      %dma_wait3A_460 = tpu.memref_slice %arg6[%dma_wait3A_457, %dma_wait3A_458, %dma_wait3A_459] : memref<16x32x128xf32, #tpu.memory_space<vmem>> -> memref<1x32x128xf32, #tpu.memory_space<vmem>>
      %dma_wait3A_461 = tpu.memref_squeeze %dma_wait3A_460 : memref<1x32x128xf32, #tpu.memory_space<vmem>> -> memref<32x128xf32, #tpu.memory_space<vmem>>
      %dma_wait3A_462 = arith.constant 0 : i32
      %dma_wait3A_463 = tpu.memref_slice %arg3[%dma_wait3A_462, %multiple_of3A_214] : memref<32x1000000xf32, #tpu.memory_space<hbm>> -> memref<32x128xf32, #tpu.memory_space<hbm>>
      %dma_wait3A_464 = arith.constant 0 : i32
      %dma_wait3A_465 = arith.constant 0 : i32
      %dma_wait3A_466 = tpu.memref_slice %arg6[%dma_wait3A_457, %dma_wait3A_464, %dma_wait3A_465] : memref<16x32x128xf32, #tpu.memory_space<vmem>> -> memref<1x32x128xf32, #tpu.memory_space<vmem>>
      %dma_wait3A_467 = tpu.memref_squeeze %dma_wait3A_466 : memref<1x32x128xf32, #tpu.memory_space<vmem>> -> memref<32x128xf32, #tpu.memory_space<vmem>>
      %dma_wait3A_468 = arith.constant 0 : i32
      %dma_wait3A_469 = tpu.memref_slice %arg3[%dma_wait3A_468, %multiple_of3A_214] : memref<32x1000000xf32, #tpu.memory_space<hbm>> -> memref<32x128xf32, #tpu.memory_space<hbm>>
      tpu.wait_dma2 semaphore(%arg8 : memref<!tpu.dma_semaphore, #tpu.memory_space<semaphore_mem>>) src(%dma_wait3A_469 : memref<32x128xf32, #tpu.memory_space<hbm>>) dst(%dma_wait3A_467 : memref<32x128xf32, #tpu.memory_space<vmem>>)
      %dma_wait3A_470 = arith.constant 11 : i32
      %dma_wait3A_471 = arith.constant 0 : i32
      %dma_wait3A_472 = arith.constant 0 : i32
      %dma_wait3A_473 = tpu.memref_slice %arg6[%dma_wait3A_470, %dma_wait3A_471, %dma_wait3A_472] : memref<16x32x128xf32, #tpu.memory_space<vmem>> -> memref<1x32x128xf32, #tpu.memory_space<vmem>>
      %dma_wait3A_474 = tpu.memref_squeeze %dma_wait3A_473 : memref<1x32x128xf32, #tpu.memory_space<vmem>> -> memref<32x128xf32, #tpu.memory_space<vmem>>
      %dma_wait3A_475 = arith.constant 0 : i32
      %dma_wait3A_476 = tpu.memref_slice %arg3[%dma_wait3A_475, %multiple_of3A_234] : memref<32x1000000xf32, #tpu.memory_space<hbm>> -> memref<32x128xf32, #tpu.memory_space<hbm>>
      %dma_wait3A_477 = arith.constant 0 : i32
      %dma_wait3A_478 = arith.constant 0 : i32
      %dma_wait3A_479 = tpu.memref_slice %arg6[%dma_wait3A_470, %dma_wait3A_477, %dma_wait3A_478] : memref<16x32x128xf32, #tpu.memory_space<vmem>> -> memref<1x32x128xf32, #tpu.memory_space<vmem>>
      %dma_wait3A_480 = tpu.memref_squeeze %dma_wait3A_479 : memref<1x32x128xf32, #tpu.memory_space<vmem>> -> memref<32x128xf32, #tpu.memory_space<vmem>>
      %dma_wait3A_481 = arith.constant 0 : i32
      %dma_wait3A_482 = tpu.memref_slice %arg3[%dma_wait3A_481, %multiple_of3A_234] : memref<32x1000000xf32, #tpu.memory_space<hbm>> -> memref<32x128xf32, #tpu.memory_space<hbm>>
      tpu.wait_dma2 semaphore(%arg8 : memref<!tpu.dma_semaphore, #tpu.memory_space<semaphore_mem>>) src(%dma_wait3A_482 : memref<32x128xf32, #tpu.memory_space<hbm>>) dst(%dma_wait3A_480 : memref<32x128xf32, #tpu.memory_space<vmem>>)
      %dma_wait3A_483 = arith.constant 12 : i32
      %dma_wait3A_484 = arith.constant 0 : i32
      %dma_wait3A_485 = arith.constant 0 : i32
      %dma_wait3A_486 = tpu.memref_slice %arg6[%dma_wait3A_483, %dma_wait3A_484, %dma_wait3A_485] : memref<16x32x128xf32, #tpu.memory_space<vmem>> -> memref<1x32x128xf32, #tpu.memory_space<vmem>>
      %dma_wait3A_487 = tpu.memref_squeeze %dma_wait3A_486 : memref<1x32x128xf32, #tpu.memory_space<vmem>> -> memref<32x128xf32, #tpu.memory_space<vmem>>
      %dma_wait3A_488 = arith.constant 0 : i32
      %dma_wait3A_489 = tpu.memref_slice %arg3[%dma_wait3A_488, %multiple_of3A_254] : memref<32x1000000xf32, #tpu.memory_space<hbm>> -> memref<32x128xf32, #tpu.memory_space<hbm>>
      %dma_wait3A_490 = arith.constant 0 : i32
      %dma_wait3A_491 = arith.constant 0 : i32
      %dma_wait3A_492 = tpu.memref_slice %arg6[%dma_wait3A_483, %dma_wait3A_490, %dma_wait3A_491] : memref<16x32x128xf32, #tpu.memory_space<vmem>> -> memref<1x32x128xf32, #tpu.memory_space<vmem>>
      %dma_wait3A_493 = tpu.memref_squeeze %dma_wait3A_492 : memref<1x32x128xf32, #tpu.memory_space<vmem>> -> memref<32x128xf32, #tpu.memory_space<vmem>>
      %dma_wait3A_494 = arith.constant 0 : i32
      %dma_wait3A_495 = tpu.memref_slice %arg3[%dma_wait3A_494, %multiple_of3A_254] : memref<32x1000000xf32, #tpu.memory_space<hbm>> -> memref<32x128xf32, #tpu.memory_space<hbm>>
      tpu.wait_dma2 semaphore(%arg8 : memref<!tpu.dma_semaphore, #tpu.memory_space<semaphore_mem>>) src(%dma_wait3A_495 : memref<32x128xf32, #tpu.memory_space<hbm>>) dst(%dma_wait3A_493 : memref<32x128xf32, #tpu.memory_space<vmem>>)
      %dma_wait3A_496 = arith.constant 13 : i32
      %dma_wait3A_497 = arith.constant 0 : i32
      %dma_wait3A_498 = arith.constant 0 : i32
      %dma_wait3A_499 = tpu.memref_slice %arg6[%dma_wait3A_496, %dma_wait3A_497, %dma_wait3A_498] : memref<16x32x128xf32, #tpu.memory_space<vmem>> -> memref<1x32x128xf32, #tpu.memory_space<vmem>>
      %dma_wait3A_500 = tpu.memref_squeeze %dma_wait3A_499 : memref<1x32x128xf32, #tpu.memory_space<vmem>> -> memref<32x128xf32, #tpu.memory_space<vmem>>
      %dma_wait3A_501 = arith.constant 0 : i32
      %dma_wait3A_502 = tpu.memref_slice %arg3[%dma_wait3A_501, %multiple_of3A_274] : memref<32x1000000xf32, #tpu.memory_space<hbm>> -> memref<32x128xf32, #tpu.memory_space<hbm>>
      %dma_wait3A_503 = arith.constant 0 : i32
      %dma_wait3A_504 = arith.constant 0 : i32
      %dma_wait3A_505 = tpu.memref_slice %arg6[%dma_wait3A_496, %dma_wait3A_503, %dma_wait3A_504] : memref<16x32x128xf32, #tpu.memory_space<vmem>> -> memref<1x32x128xf32, #tpu.memory_space<vmem>>
      %dma_wait3A_506 = tpu.memref_squeeze %dma_wait3A_505 : memref<1x32x128xf32, #tpu.memory_space<vmem>> -> memref<32x128xf32, #tpu.memory_space<vmem>>
      %dma_wait3A_507 = arith.constant 0 : i32
      %dma_wait3A_508 = tpu.memref_slice %arg3[%dma_wait3A_507, %multiple_of3A_274] : memref<32x1000000xf32, #tpu.memory_space<hbm>> -> memref<32x128xf32, #tpu.memory_space<hbm>>
      tpu.wait_dma2 semaphore(%arg8 : memref<!tpu.dma_semaphore, #tpu.memory_space<semaphore_mem>>) src(%dma_wait3A_508 : memref<32x128xf32, #tpu.memory_space<hbm>>) dst(%dma_wait3A_506 : memref<32x128xf32, #tpu.memory_space<vmem>>)
      %dma_wait3A_509 = arith.constant 14 : i32
      %dma_wait3A_510 = arith.constant 0 : i32
      %dma_wait3A_511 = arith.constant 0 : i32
      %dma_wait3A_512 = tpu.memref_slice %arg6[%dma_wait3A_509, %dma_wait3A_510, %dma_wait3A_511] : memref<16x32x128xf32, #tpu.memory_space<vmem>> -> memref<1x32x128xf32, #tpu.memory_space<vmem>>
      %dma_wait3A_513 = tpu.memref_squeeze %dma_wait3A_512 : memref<1x32x128xf32, #tpu.memory_space<vmem>> -> memref<32x128xf32, #tpu.memory_space<vmem>>
      %dma_wait3A_514 = arith.constant 0 : i32
      %dma_wait3A_515 = tpu.memref_slice %arg3[%dma_wait3A_514, %multiple_of3A_294] : memref<32x1000000xf32, #tpu.memory_space<hbm>> -> memref<32x128xf32, #tpu.memory_space<hbm>>
      %dma_wait3A_516 = arith.constant 0 : i32
      %dma_wait3A_517 = arith.constant 0 : i32
      %dma_wait3A_518 = tpu.memref_slice %arg6[%dma_wait3A_509, %dma_wait3A_516, %dma_wait3A_517] : memref<16x32x128xf32, #tpu.memory_space<vmem>> -> memref<1x32x128xf32, #tpu.memory_space<vmem>>
      %dma_wait3A_519 = tpu.memref_squeeze %dma_wait3A_518 : memref<1x32x128xf32, #tpu.memory_space<vmem>> -> memref<32x128xf32, #tpu.memory_space<vmem>>
      %dma_wait3A_520 = arith.constant 0 : i32
      %dma_wait3A_521 = tpu.memref_slice %arg3[%dma_wait3A_520, %multiple_of3A_294] : memref<32x1000000xf32, #tpu.memory_space<hbm>> -> memref<32x128xf32, #tpu.memory_space<hbm>>
      tpu.wait_dma2 semaphore(%arg8 : memref<!tpu.dma_semaphore, #tpu.memory_space<semaphore_mem>>) src(%dma_wait3A_521 : memref<32x128xf32, #tpu.memory_space<hbm>>) dst(%dma_wait3A_519 : memref<32x128xf32, #tpu.memory_space<vmem>>)
      %dma_wait3A_522 = arith.constant 15 : i32
      %dma_wait3A_523 = arith.constant 0 : i32
      %dma_wait3A_524 = arith.constant 0 : i32
      %dma_wait3A_525 = tpu.memref_slice %arg6[%dma_wait3A_522, %dma_wait3A_523, %dma_wait3A_524] : memref<16x32x128xf32, #tpu.memory_space<vmem>> -> memref<1x32x128xf32, #tpu.memory_space<vmem>>
      %dma_wait3A_526 = tpu.memref_squeeze %dma_wait3A_525 : memref<1x32x128xf32, #tpu.memory_space<vmem>> -> memref<32x128xf32, #tpu.memory_space<vmem>>
      %dma_wait3A_527 = arith.constant 0 : i32
      %dma_wait3A_528 = tpu.memref_slice %arg3[%dma_wait3A_527, %multiple_of3A_314] : memref<32x1000000xf32, #tpu.memory_space<hbm>> -> memref<32x128xf32, #tpu.memory_space<hbm>>
      %dma_wait3A_529 = arith.constant 0 : i32
      %dma_wait3A_530 = arith.constant 0 : i32
      %dma_wait3A_531 = tpu.memref_slice %arg6[%dma_wait3A_522, %dma_wait3A_529, %dma_wait3A_530] : memref<16x32x128xf32, #tpu.memory_space<vmem>> -> memref<1x32x128xf32, #tpu.memory_space<vmem>>
      %dma_wait3A_532 = tpu.memref_squeeze %dma_wait3A_531 : memref<1x32x128xf32, #tpu.memory_space<vmem>> -> memref<32x128xf32, #tpu.memory_space<vmem>>
      %dma_wait3A_533 = arith.constant 0 : i32
      %dma_wait3A_534 = tpu.memref_slice %arg3[%dma_wait3A_533, %multiple_of3A_314] : memref<32x1000000xf32, #tpu.memory_space<hbm>> -> memref<32x128xf32, #tpu.memory_space<hbm>>
      tpu.wait_dma2 semaphore(%arg8 : memref<!tpu.dma_semaphore, #tpu.memory_space<semaphore_mem>>) src(%dma_wait3A_534 : memref<32x128xf32, #tpu.memory_space<hbm>>) dst(%dma_wait3A_532 : memref<32x128xf32, #tpu.memory_space<vmem>>)
      %broadcast_in_dim3A = arith.constant 0 : i32
      %broadcast_in_dim3A_535 = vector.broadcast %broadcast_in_dim3A : i32 to vector<16xi32>
      %gather3A = tpu.vector_load_idx %arg6[%iota3A, %broadcast_in_dim3A_535, %and3A_13] : memref<16x32x128xf32, #tpu.memory_space<vmem>>[vector<16xi32>, vector<16xi32>, vector<16xi32>], vector<16xf32>,
      %mul3A_536 = arith.constant 16 : i32
      %mul3A_537 = arith.muli %scan3A_8, %mul3A_536 : i32
      %swap3A = arith.constant 0 : i32
      %swap3A_538 = arith.index_cast %swap3A : i32 to index
      %swap3A_539 = arith.index_cast %mul3A_537 : i32 to index
      %swap3A_540 = tpu.vector_load %arg7[%swap3A_538, %swap3A_539] {strides = array<i32>} : memref<32x512xf32, #tpu.memory_space<vmem>>, vector<16xf32>,
      tpu.vector_store %arg7[%swap3A_538, %swap3A_539], %gather3A {strides = array<i32>} : memref<32x512xf32, #tpu.memory_space<vmem>>, vector<16xf32>,
      %broadcast_in_dim3A_541 = arith.constant 1 : i32
      %broadcast_in_dim3A_542 = vector.broadcast %broadcast_in_dim3A_541 : i32 to vector<16xi32>
      %gather3A_543 = tpu.vector_load_idx %arg6[%iota3A, %broadcast_in_dim3A_542, %and3A_13] : memref<16x32x128xf32, #tpu.memory_space<vmem>>[vector<16xi32>, vector<16xi32>, vector<16xi32>], vector<16xf32>,
      %mul3A_544 = arith.constant 16 : i32
      %mul3A_545 = arith.muli %scan3A_8, %mul3A_544 : i32
      %swap3A_546 = arith.constant 1 : i32
      %swap3A_547 = arith.index_cast %swap3A_546 : i32 to index
      %swap3A_548 = arith.index_cast %mul3A_545 : i32 to index
      %swap3A_549 = tpu.vector_load %arg7[%swap3A_547, %swap3A_548] {strides = array<i32>} : memref<32x512xf32, #tpu.memory_space<vmem>>, vector<16xf32>,
      tpu.vector_store %arg7[%swap3A_547, %swap3A_548], %gather3A_543 {strides = array<i32>} : memref<32x512xf32, #tpu.memory_space<vmem>>, vector<16xf32>,
      %broadcast_in_dim3A_550 = arith.constant 2 : i32
      %broadcast_in_dim3A_551 = vector.broadcast %broadcast_in_dim3A_550 : i32 to vector<16xi32>
      %gather3A_552 = tpu.vector_load_idx %arg6[%iota3A, %broadcast_in_dim3A_551, %and3A_13] : memref<16x32x128xf32, #tpu.memory_space<vmem>>[vector<16xi32>, vector<16xi32>, vector<16xi32>], vector<16xf32>,
      %mul3A_553 = arith.constant 16 : i32
      %mul3A_554 = arith.muli %scan3A_8, %mul3A_553 : i32
      %swap3A_555 = arith.constant 2 : i32
      %swap3A_556 = arith.index_cast %swap3A_555 : i32 to index
      %swap3A_557 = arith.index_cast %mul3A_554 : i32 to index
      %swap3A_558 = tpu.vector_load %arg7[%swap3A_556, %swap3A_557] {strides = array<i32>} : memref<32x512xf32, #tpu.memory_space<vmem>>, vector<16xf32>,
      tpu.vector_store %arg7[%swap3A_556, %swap3A_557], %gather3A_552 {strides = array<i32>} : memref<32x512xf32, #tpu.memory_space<vmem>>, vector<16xf32>,
      %broadcast_in_dim3A_559 = arith.constant 3 : i32
      %broadcast_in_dim3A_560 = vector.broadcast %broadcast_in_dim3A_559 : i32 to vector<16xi32>
      %gather3A_561 = tpu.vector_load_idx %arg6[%iota3A, %broadcast_in_dim3A_560, %and3A_13] : memref<16x32x128xf32, #tpu.memory_space<vmem>>[vector<16xi32>, vector<16xi32>, vector<16xi32>], vector<16xf32>,
      %mul3A_562 = arith.constant 16 : i32
      %mul3A_563 = arith.muli %scan3A_8, %mul3A_562 : i32
      %swap3A_564 = arith.constant 3 : i32
      %swap3A_565 = arith.index_cast %swap3A_564 : i32 to index
      %swap3A_566 = arith.index_cast %mul3A_563 : i32 to index
      %swap3A_567 = tpu.vector_load %arg7[%swap3A_565, %swap3A_566] {strides = array<i32>} : memref<32x512xf32, #tpu.memory_space<vmem>>, vector<16xf32>,
      tpu.vector_store %arg7[%swap3A_565, %swap3A_566], %gather3A_561 {strides = array<i32>} : memref<32x512xf32, #tpu.memory_space<vmem>>, vector<16xf32>,
      %broadcast_in_dim3A_568 = arith.constant 4 : i32
      %broadcast_in_dim3A_569 = vector.broadcast %broadcast_in_dim3A_568 : i32 to vector<16xi32>
      %gather3A_570 = tpu.vector_load_idx %arg6[%iota3A, %broadcast_in_dim3A_569, %and3A_13] : memref<16x32x128xf32, #tpu.memory_space<vmem>>[vector<16xi32>, vector<16xi32>, vector<16xi32>], vector<16xf32>,
      %mul3A_571 = arith.constant 16 : i32
      %mul3A_572 = arith.muli %scan3A_8, %mul3A_571 : i32
      %swap3A_573 = arith.constant 4 : i32
      %swap3A_574 = arith.index_cast %swap3A_573 : i32 to index
      %swap3A_575 = arith.index_cast %mul3A_572 : i32 to index
      %swap3A_576 = tpu.vector_load %arg7[%swap3A_574, %swap3A_575] {strides = array<i32>} : memref<32x512xf32, #tpu.memory_space<vmem>>, vector<16xf32>,
      tpu.vector_store %arg7[%swap3A_574, %swap3A_575], %gather3A_570 {strides = array<i32>} : memref<32x512xf32, #tpu.memory_space<vmem>>, vector<16xf32>,
      %broadcast_in_dim3A_577 = arith.constant 5 : i32
      %broadcast_in_dim3A_578 = vector.broadcast %broadcast_in_dim3A_577 : i32 to vector<16xi32>
      %gather3A_579 = tpu.vector_load_idx %arg6[%iota3A, %broadcast_in_dim3A_578, %and3A_13] : memref<16x32x128xf32, #tpu.memory_space<vmem>>[vector<16xi32>, vector<16xi32>, vector<16xi32>], vector<16xf32>,
      %mul3A_580 = arith.constant 16 : i32
      %mul3A_581 = arith.muli %scan3A_8, %mul3A_580 : i32
      %swap3A_582 = arith.constant 5 : i32
      %swap3A_583 = arith.index_cast %swap3A_582 : i32 to index
      %swap3A_584 = arith.index_cast %mul3A_581 : i32 to index
      %swap3A_585 = tpu.vector_load %arg7[%swap3A_583, %swap3A_584] {strides = array<i32>} : memref<32x512xf32, #tpu.memory_space<vmem>>, vector<16xf32>,
      tpu.vector_store %arg7[%swap3A_583, %swap3A_584], %gather3A_579 {strides = array<i32>} : memref<32x512xf32, #tpu.memory_space<vmem>>, vector<16xf32>,
      %broadcast_in_dim3A_586 = arith.constant 6 : i32
      %broadcast_in_dim3A_587 = vector.broadcast %broadcast_in_dim3A_586 : i32 to vector<16xi32>
      %gather3A_588 = tpu.vector_load_idx %arg6[%iota3A, %broadcast_in_dim3A_587, %and3A_13] : memref<16x32x128xf32, #tpu.memory_space<vmem>>[vector<16xi32>, vector<16xi32>, vector<16xi32>], vector<16xf32>,
      %mul3A_589 = arith.constant 16 : i32
      %mul3A_590 = arith.muli %scan3A_8, %mul3A_589 : i32
      %swap3A_591 = arith.constant 6 : i32
      %swap3A_592 = arith.index_cast %swap3A_591 : i32 to index
      %swap3A_593 = arith.index_cast %mul3A_590 : i32 to index
      %swap3A_594 = tpu.vector_load %arg7[%swap3A_592, %swap3A_593] {strides = array<i32>} : memref<32x512xf32, #tpu.memory_space<vmem>>, vector<16xf32>,
      tpu.vector_store %arg7[%swap3A_592, %swap3A_593], %gather3A_588 {strides = array<i32>} : memref<32x512xf32, #tpu.memory_space<vmem>>, vector<16xf32>,
      %broadcast_in_dim3A_595 = arith.constant 7 : i32
      %broadcast_in_dim3A_596 = vector.broadcast %broadcast_in_dim3A_595 : i32 to vector<16xi32>
      %gather3A_597 = tpu.vector_load_idx %arg6[%iota3A, %broadcast_in_dim3A_596, %and3A_13] : memref<16x32x128xf32, #tpu.memory_space<vmem>>[vector<16xi32>, vector<16xi32>, vector<16xi32>], vector<16xf32>,
      %mul3A_598 = arith.constant 16 : i32
      %mul3A_599 = arith.muli %scan3A_8, %mul3A_598 : i32
      %swap3A_600 = arith.constant 7 : i32
      %swap3A_601 = arith.index_cast %swap3A_600 : i32 to index
      %swap3A_602 = arith.index_cast %mul3A_599 : i32 to index
      %swap3A_603 = tpu.vector_load %arg7[%swap3A_601, %swap3A_602] {strides = array<i32>} : memref<32x512xf32, #tpu.memory_space<vmem>>, vector<16xf32>,
      tpu.vector_store %arg7[%swap3A_601, %swap3A_602], %gather3A_597 {strides = array<i32>} : memref<32x512xf32, #tpu.memory_space<vmem>>, vector<16xf32>,
      %broadcast_in_dim3A_604 = arith.constant 8 : i32
      %broadcast_in_dim3A_605 = vector.broadcast %broadcast_in_dim3A_604 : i32 to vector<16xi32>
      %gather3A_606 = tpu.vector_load_idx %arg6[%iota3A, %broadcast_in_dim3A_605, %and3A_13] : memref<16x32x128xf32, #tpu.memory_space<vmem>>[vector<16xi32>, vector<16xi32>, vector<16xi32>], vector<16xf32>,
      %mul3A_607 = arith.constant 16 : i32
      %mul3A_608 = arith.muli %scan3A_8, %mul3A_607 : i32
      %swap3A_609 = arith.constant 8 : i32
      %swap3A_610 = arith.index_cast %swap3A_609 : i32 to index
      %swap3A_611 = arith.index_cast %mul3A_608 : i32 to index
      %swap3A_612 = tpu.vector_load %arg7[%swap3A_610, %swap3A_611] {strides = array<i32>} : memref<32x512xf32, #tpu.memory_space<vmem>>, vector<16xf32>,
      tpu.vector_store %arg7[%swap3A_610, %swap3A_611], %gather3A_606 {strides = array<i32>} : memref<32x512xf32, #tpu.memory_space<vmem>>, vector<16xf32>,
      %broadcast_in_dim3A_613 = arith.constant 9 : i32
      %broadcast_in_dim3A_614 = vector.broadcast %broadcast_in_dim3A_613 : i32 to vector<16xi32>
      %gather3A_615 = tpu.vector_load_idx %arg6[%iota3A, %broadcast_in_dim3A_614, %and3A_13] : memref<16x32x128xf32, #tpu.memory_space<vmem>>[vector<16xi32>, vector<16xi32>, vector<16xi32>], vector<16xf32>,
      %mul3A_616 = arith.constant 16 : i32
      %mul3A_617 = arith.muli %scan3A_8, %mul3A_616 : i32
      %swap3A_618 = arith.constant 9 : i32
      %swap3A_619 = arith.index_cast %swap3A_618 : i32 to index
      %swap3A_620 = arith.index_cast %mul3A_617 : i32 to index
      %swap3A_621 = tpu.vector_load %arg7[%swap3A_619, %swap3A_620] {strides = array<i32>} : memref<32x512xf32, #tpu.memory_space<vmem>>, vector<16xf32>,
      tpu.vector_store %arg7[%swap3A_619, %swap3A_620], %gather3A_615 {strides = array<i32>} : memref<32x512xf32, #tpu.memory_space<vmem>>, vector<16xf32>,
      %broadcast_in_dim3A_622 = arith.constant 10 : i32
      %broadcast_in_dim3A_623 = vector.broadcast %broadcast_in_dim3A_622 : i32 to vector<16xi32>
      %gather3A_624 = tpu.vector_load_idx %arg6[%iota3A, %broadcast_in_dim3A_623, %and3A_13] : memref<16x32x128xf32, #tpu.memory_space<vmem>>[vector<16xi32>, vector<16xi32>, vector<16xi32>], vector<16xf32>,
      %mul3A_625 = arith.constant 16 : i32
      %mul3A_626 = arith.muli %scan3A_8, %mul3A_625 : i32
      %swap3A_627 = arith.constant 10 : i32
      %swap3A_628 = arith.index_cast %swap3A_627 : i32 to index
      %swap3A_629 = arith.index_cast %mul3A_626 : i32 to index
      %swap3A_630 = tpu.vector_load %arg7[%swap3A_628, %swap3A_629] {strides = array<i32>} : memref<32x512xf32, #tpu.memory_space<vmem>>, vector<16xf32>,
      tpu.vector_store %arg7[%swap3A_628, %swap3A_629], %gather3A_624 {strides = array<i32>} : memref<32x512xf32, #tpu.memory_space<vmem>>, vector<16xf32>,
      %broadcast_in_dim3A_631 = arith.constant 11 : i32
      %broadcast_in_dim3A_632 = vector.broadcast %broadcast_in_dim3A_631 : i32 to vector<16xi32>
      %gather3A_633 = tpu.vector_load_idx %arg6[%iota3A, %broadcast_in_dim3A_632, %and3A_13] : memref<16x32x128xf32, #tpu.memory_space<vmem>>[vector<16xi32>, vector<16xi32>, vector<16xi32>], vector<16xf32>,
      %mul3A_634 = arith.constant 16 : i32
      %mul3A_635 = arith.muli %scan3A_8, %mul3A_634 : i32
      %swap3A_636 = arith.constant 11 : i32
      %swap3A_637 = arith.index_cast %swap3A_636 : i32 to index
      %swap3A_638 = arith.index_cast %mul3A_635 : i32 to index
      %swap3A_639 = tpu.vector_load %arg7[%swap3A_637, %swap3A_638] {strides = array<i32>} : memref<32x512xf32, #tpu.memory_space<vmem>>, vector<16xf32>,
      tpu.vector_store %arg7[%swap3A_637, %swap3A_638], %gather3A_633 {strides = array<i32>} : memref<32x512xf32, #tpu.memory_space<vmem>>, vector<16xf32>,
      %broadcast_in_dim3A_640 = arith.constant 12 : i32
      %broadcast_in_dim3A_641 = vector.broadcast %broadcast_in_dim3A_640 : i32 to vector<16xi32>
      %gather3A_642 = tpu.vector_load_idx %arg6[%iota3A, %broadcast_in_dim3A_641, %and3A_13] : memref<16x32x128xf32, #tpu.memory_space<vmem>>[vector<16xi32>, vector<16xi32>, vector<16xi32>], vector<16xf32>,
      %mul3A_643 = arith.constant 16 : i32
      %mul3A_644 = arith.muli %scan3A_8, %mul3A_643 : i32
      %swap3A_645 = arith.constant 12 : i32
      %swap3A_646 = arith.index_cast %swap3A_645 : i32 to index
      %swap3A_647 = arith.index_cast %mul3A_644 : i32 to index
      %swap3A_648 = tpu.vector_load %arg7[%swap3A_646, %swap3A_647] {strides = array<i32>} : memref<32x512xf32, #tpu.memory_space<vmem>>, vector<16xf32>,
      tpu.vector_store %arg7[%swap3A_646, %swap3A_647], %gather3A_642 {strides = array<i32>} : memref<32x512xf32, #tpu.memory_space<vmem>>, vector<16xf32>,
      %broadcast_in_dim3A_649 = arith.constant 13 : i32
      %broadcast_in_dim3A_650 = vector.broadcast %broadcast_in_dim3A_649 : i32 to vector<16xi32>
      %gather3A_651 = tpu.vector_load_idx %arg6[%iota3A, %broadcast_in_dim3A_650, %and3A_13] : memref<16x32x128xf32, #tpu.memory_space<vmem>>[vector<16xi32>, vector<16xi32>, vector<16xi32>], vector<16xf32>,
      %mul3A_652 = arith.constant 16 : i32
      %mul3A_653 = arith.muli %scan3A_8, %mul3A_652 : i32
      %swap3A_654 = arith.constant 13 : i32
      %swap3A_655 = arith.index_cast %swap3A_654 : i32 to index
      %swap3A_656 = arith.index_cast %mul3A_653 : i32 to index
      %swap3A_657 = tpu.vector_load %arg7[%swap3A_655, %swap3A_656] {strides = array<i32>} : memref<32x512xf32, #tpu.memory_space<vmem>>, vector<16xf32>,
      tpu.vector_store %arg7[%swap3A_655, %swap3A_656], %gather3A_651 {strides = array<i32>} : memref<32x512xf32, #tpu.memory_space<vmem>>, vector<16xf32>,
      %broadcast_in_dim3A_658 = arith.constant 14 : i32
      %broadcast_in_dim3A_659 = vector.broadcast %broadcast_in_dim3A_658 : i32 to vector<16xi32>
      %gather3A_660 = tpu.vector_load_idx %arg6[%iota3A, %broadcast_in_dim3A_659, %and3A_13] : memref<16x32x128xf32, #tpu.memory_space<vmem>>[vector<16xi32>, vector<16xi32>, vector<16xi32>], vector<16xf32>,
      %mul3A_661 = arith.constant 16 : i32
      %mul3A_662 = arith.muli %scan3A_8, %mul3A_661 : i32
      %swap3A_663 = arith.constant 14 : i32
      %swap3A_664 = arith.index_cast %swap3A_663 : i32 to index
      %swap3A_665 = arith.index_cast %mul3A_662 : i32 to index
      %swap3A_666 = tpu.vector_load %arg7[%swap3A_664, %swap3A_665] {strides = array<i32>} : memref<32x512xf32, #tpu.memory_space<vmem>>, vector<16xf32>,
      tpu.vector_store %arg7[%swap3A_664, %swap3A_665], %gather3A_660 {strides = array<i32>} : memref<32x512xf32, #tpu.memory_space<vmem>>, vector<16xf32>,
      %broadcast_in_dim3A_667 = arith.constant 15 : i32
      %broadcast_in_dim3A_668 = vector.broadcast %broadcast_in_dim3A_667 : i32 to vector<16xi32>
      %gather3A_669 = tpu.vector_load_idx %arg6[%iota3A, %broadcast_in_dim3A_668, %and3A_13] : memref<16x32x128xf32, #tpu.memory_space<vmem>>[vector<16xi32>, vector<16xi32>, vector<16xi32>], vector<16xf32>,
      %mul3A_670 = arith.constant 16 : i32
      %mul3A_671 = arith.muli %scan3A_8, %mul3A_670 : i32
      %swap3A_672 = arith.constant 15 : i32
      %swap3A_673 = arith.index_cast %swap3A_672 : i32 to index
      %swap3A_674 = arith.index_cast %mul3A_671 : i32 to index
      %swap3A_675 = tpu.vector_load %arg7[%swap3A_673, %swap3A_674] {strides = array<i32>} : memref<32x512xf32, #tpu.memory_space<vmem>>, vector<16xf32>,
      tpu.vector_store %arg7[%swap3A_673, %swap3A_674], %gather3A_669 {strides = array<i32>} : memref<32x512xf32, #tpu.memory_space<vmem>>, vector<16xf32>,
      %broadcast_in_dim3A_676 = arith.constant 16 : i32
      %broadcast_in_dim3A_677 = vector.broadcast %broadcast_in_dim3A_676 : i32 to vector<16xi32>
      %gather3A_678 = tpu.vector_load_idx %arg6[%iota3A, %broadcast_in_dim3A_677, %and3A_13] : memref<16x32x128xf32, #tpu.memory_space<vmem>>[vector<16xi32>, vector<16xi32>, vector<16xi32>], vector<16xf32>,
      %mul3A_679 = arith.constant 16 : i32
      %mul3A_680 = arith.muli %scan3A_8, %mul3A_679 : i32
      %swap3A_681 = arith.constant 16 : i32
      %swap3A_682 = arith.index_cast %swap3A_681 : i32 to index
      %swap3A_683 = arith.index_cast %mul3A_680 : i32 to index
      %swap3A_684 = tpu.vector_load %arg7[%swap3A_682, %swap3A_683] {strides = array<i32>} : memref<32x512xf32, #tpu.memory_space<vmem>>, vector<16xf32>,
      tpu.vector_store %arg7[%swap3A_682, %swap3A_683], %gather3A_678 {strides = array<i32>} : memref<32x512xf32, #tpu.memory_space<vmem>>, vector<16xf32>,
      %broadcast_in_dim3A_685 = arith.constant 17 : i32
      %broadcast_in_dim3A_686 = vector.broadcast %broadcast_in_dim3A_685 : i32 to vector<16xi32>
      %gather3A_687 = tpu.vector_load_idx %arg6[%iota3A, %broadcast_in_dim3A_686, %and3A_13] : memref<16x32x128xf32, #tpu.memory_space<vmem>>[vector<16xi32>, vector<16xi32>, vector<16xi32>], vector<16xf32>,
      %mul3A_688 = arith.constant 16 : i32
      %mul3A_689 = arith.muli %scan3A_8, %mul3A_688 : i32
      %swap3A_690 = arith.constant 17 : i32
      %swap3A_691 = arith.index_cast %swap3A_690 : i32 to index
      %swap3A_692 = arith.index_cast %mul3A_689 : i32 to index
      %swap3A_693 = tpu.vector_load %arg7[%swap3A_691, %swap3A_692] {strides = array<i32>} : memref<32x512xf32, #tpu.memory_space<vmem>>, vector<16xf32>,
      tpu.vector_store %arg7[%swap3A_691, %swap3A_692], %gather3A_687 {strides = array<i32>} : memref<32x512xf32, #tpu.memory_space<vmem>>, vector<16xf32>,
      %broadcast_in_dim3A_694 = arith.constant 18 : i32
      %broadcast_in_dim3A_695 = vector.broadcast %broadcast_in_dim3A_694 : i32 to vector<16xi32>
      %gather3A_696 = tpu.vector_load_idx %arg6[%iota3A, %broadcast_in_dim3A_695, %and3A_13] : memref<16x32x128xf32, #tpu.memory_space<vmem>>[vector<16xi32>, vector<16xi32>, vector<16xi32>], vector<16xf32>,
      %mul3A_697 = arith.constant 16 : i32
      %mul3A_698 = arith.muli %scan3A_8, %mul3A_697 : i32
      %swap3A_699 = arith.constant 18 : i32
      %swap3A_700 = arith.index_cast %swap3A_699 : i32 to index
      %swap3A_701 = arith.index_cast %mul3A_698 : i32 to index
      %swap3A_702 = tpu.vector_load %arg7[%swap3A_700, %swap3A_701] {strides = array<i32>} : memref<32x512xf32, #tpu.memory_space<vmem>>, vector<16xf32>,
      tpu.vector_store %arg7[%swap3A_700, %swap3A_701], %gather3A_696 {strides = array<i32>} : memref<32x512xf32, #tpu.memory_space<vmem>>, vector<16xf32>,
      %broadcast_in_dim3A_703 = arith.constant 19 : i32
      %broadcast_in_dim3A_704 = vector.broadcast %broadcast_in_dim3A_703 : i32 to vector<16xi32>
      %gather3A_705 = tpu.vector_load_idx %arg6[%iota3A, %broadcast_in_dim3A_704, %and3A_13] : memref<16x32x128xf32, #tpu.memory_space<vmem>>[vector<16xi32>, vector<16xi32>, vector<16xi32>], vector<16xf32>,
      %mul3A_706 = arith.constant 16 : i32
      %mul3A_707 = arith.muli %scan3A_8, %mul3A_706 : i32
      %swap3A_708 = arith.constant 19 : i32
      %swap3A_709 = arith.index_cast %swap3A_708 : i32 to index
      %swap3A_710 = arith.index_cast %mul3A_707 : i32 to index
      %swap3A_711 = tpu.vector_load %arg7[%swap3A_709, %swap3A_710] {strides = array<i32>} : memref<32x512xf32, #tpu.memory_space<vmem>>, vector<16xf32>,
      tpu.vector_store %arg7[%swap3A_709, %swap3A_710], %gather3A_705 {strides = array<i32>} : memref<32x512xf32, #tpu.memory_space<vmem>>, vector<16xf32>,
      %broadcast_in_dim3A_712 = arith.constant 20 : i32
      %broadcast_in_dim3A_713 = vector.broadcast %broadcast_in_dim3A_712 : i32 to vector<16xi32>
      %gather3A_714 = tpu.vector_load_idx %arg6[%iota3A, %broadcast_in_dim3A_713, %and3A_13] : memref<16x32x128xf32, #tpu.memory_space<vmem>>[vector<16xi32>, vector<16xi32>, vector<16xi32>], vector<16xf32>,
      %mul3A_715 = arith.constant 16 : i32
      %mul3A_716 = arith.muli %scan3A_8, %mul3A_715 : i32
      %swap3A_717 = arith.constant 20 : i32
      %swap3A_718 = arith.index_cast %swap3A_717 : i32 to index
      %swap3A_719 = arith.index_cast %mul3A_716 : i32 to index
      %swap3A_720 = tpu.vector_load %arg7[%swap3A_718, %swap3A_719] {strides = array<i32>} : memref<32x512xf32, #tpu.memory_space<vmem>>, vector<16xf32>,
      tpu.vector_store %arg7[%swap3A_718, %swap3A_719], %gather3A_714 {strides = array<i32>} : memref<32x512xf32, #tpu.memory_space<vmem>>, vector<16xf32>,
      %broadcast_in_dim3A_721 = arith.constant 21 : i32
      %broadcast_in_dim3A_722 = vector.broadcast %broadcast_in_dim3A_721 : i32 to vector<16xi32>
      %gather3A_723 = tpu.vector_load_idx %arg6[%iota3A, %broadcast_in_dim3A_722, %and3A_13] : memref<16x32x128xf32, #tpu.memory_space<vmem>>[vector<16xi32>, vector<16xi32>, vector<16xi32>], vector<16xf32>,
      %mul3A_724 = arith.constant 16 : i32
      %mul3A_725 = arith.muli %scan3A_8, %mul3A_724 : i32
      %swap3A_726 = arith.constant 21 : i32
      %swap3A_727 = arith.index_cast %swap3A_726 : i32 to index
      %swap3A_728 = arith.index_cast %mul3A_725 : i32 to index
      %swap3A_729 = tpu.vector_load %arg7[%swap3A_727, %swap3A_728] {strides = array<i32>} : memref<32x512xf32, #tpu.memory_space<vmem>>, vector<16xf32>,
      tpu.vector_store %arg7[%swap3A_727, %swap3A_728], %gather3A_723 {strides = array<i32>} : memref<32x512xf32, #tpu.memory_space<vmem>>, vector<16xf32>,
      %broadcast_in_dim3A_730 = arith.constant 22 : i32
      %broadcast_in_dim3A_731 = vector.broadcast %broadcast_in_dim3A_730 : i32 to vector<16xi32>
      %gather3A_732 = tpu.vector_load_idx %arg6[%iota3A, %broadcast_in_dim3A_731, %and3A_13] : memref<16x32x128xf32, #tpu.memory_space<vmem>>[vector<16xi32>, vector<16xi32>, vector<16xi32>], vector<16xf32>,
      %mul3A_733 = arith.constant 16 : i32
      %mul3A_734 = arith.muli %scan3A_8, %mul3A_733 : i32
      %swap3A_735 = arith.constant 22 : i32
      %swap3A_736 = arith.index_cast %swap3A_735 : i32 to index
      %swap3A_737 = arith.index_cast %mul3A_734 : i32 to index
      %swap3A_738 = tpu.vector_load %arg7[%swap3A_736, %swap3A_737] {strides = array<i32>} : memref<32x512xf32, #tpu.memory_space<vmem>>, vector<16xf32>,
      tpu.vector_store %arg7[%swap3A_736, %swap3A_737], %gather3A_732 {strides = array<i32>} : memref<32x512xf32, #tpu.memory_space<vmem>>, vector<16xf32>,
      %broadcast_in_dim3A_739 = arith.constant 23 : i32
      %broadcast_in_dim3A_740 = vector.broadcast %broadcast_in_dim3A_739 : i32 to vector<16xi32>
      %gather3A_741 = tpu.vector_load_idx %arg6[%iota3A, %broadcast_in_dim3A_740, %and3A_13] : memref<16x32x128xf32, #tpu.memory_space<vmem>>[vector<16xi32>, vector<16xi32>, vector<16xi32>], vector<16xf32>,
      %mul3A_742 = arith.constant 16 : i32
      %mul3A_743 = arith.muli %scan3A_8, %mul3A_742 : i32
      %swap3A_744 = arith.constant 23 : i32
      %swap3A_745 = arith.index_cast %swap3A_744 : i32 to index
      %swap3A_746 = arith.index_cast %mul3A_743 : i32 to index
      %swap3A_747 = tpu.vector_load %arg7[%swap3A_745, %swap3A_746] {strides = array<i32>} : memref<32x512xf32, #tpu.memory_space<vmem>>, vector<16xf32>,
      tpu.vector_store %arg7[%swap3A_745, %swap3A_746], %gather3A_741 {strides = array<i32>} : memref<32x512xf32, #tpu.memory_space<vmem>>, vector<16xf32>,
      %broadcast_in_dim3A_748 = arith.constant 24 : i32
      %broadcast_in_dim3A_749 = vector.broadcast %broadcast_in_dim3A_748 : i32 to vector<16xi32>
      %gather3A_750 = tpu.vector_load_idx %arg6[%iota3A, %broadcast_in_dim3A_749, %and3A_13] : memref<16x32x128xf32, #tpu.memory_space<vmem>>[vector<16xi32>, vector<16xi32>, vector<16xi32>], vector<16xf32>,
      %mul3A_751 = arith.constant 16 : i32
      %mul3A_752 = arith.muli %scan3A_8, %mul3A_751 : i32
      %swap3A_753 = arith.constant 24 : i32
      %swap3A_754 = arith.index_cast %swap3A_753 : i32 to index
      %swap3A_755 = arith.index_cast %mul3A_752 : i32 to index
      %swap3A_756 = tpu.vector_load %arg7[%swap3A_754, %swap3A_755] {strides = array<i32>} : memref<32x512xf32, #tpu.memory_space<vmem>>, vector<16xf32>,
      tpu.vector_store %arg7[%swap3A_754, %swap3A_755], %gather3A_750 {strides = array<i32>} : memref<32x512xf32, #tpu.memory_space<vmem>>, vector<16xf32>,
      %broadcast_in_dim3A_757 = arith.constant 25 : i32
      %broadcast_in_dim3A_758 = vector.broadcast %broadcast_in_dim3A_757 : i32 to vector<16xi32>
      %gather3A_759 = tpu.vector_load_idx %arg6[%iota3A, %broadcast_in_dim3A_758, %and3A_13] : memref<16x32x128xf32, #tpu.memory_space<vmem>>[vector<16xi32>, vector<16xi32>, vector<16xi32>], vector<16xf32>,
      %mul3A_760 = arith.constant 16 : i32
      %mul3A_761 = arith.muli %scan3A_8, %mul3A_760 : i32
      %swap3A_762 = arith.constant 25 : i32
      %swap3A_763 = arith.index_cast %swap3A_762 : i32 to index
      %swap3A_764 = arith.index_cast %mul3A_761 : i32 to index
      %swap3A_765 = tpu.vector_load %arg7[%swap3A_763, %swap3A_764] {strides = array<i32>} : memref<32x512xf32, #tpu.memory_space<vmem>>, vector<16xf32>,
      tpu.vector_store %arg7[%swap3A_763, %swap3A_764], %gather3A_759 {strides = array<i32>} : memref<32x512xf32, #tpu.memory_space<vmem>>, vector<16xf32>,
      %broadcast_in_dim3A_766 = arith.constant 26 : i32
      %broadcast_in_dim3A_767 = vector.broadcast %broadcast_in_dim3A_766 : i32 to vector<16xi32>
      %gather3A_768 = tpu.vector_load_idx %arg6[%iota3A, %broadcast_in_dim3A_767, %and3A_13] : memref<16x32x128xf32, #tpu.memory_space<vmem>>[vector<16xi32>, vector<16xi32>, vector<16xi32>], vector<16xf32>,
      %mul3A_769 = arith.constant 16 : i32
      %mul3A_770 = arith.muli %scan3A_8, %mul3A_769 : i32
      %swap3A_771 = arith.constant 26 : i32
      %swap3A_772 = arith.index_cast %swap3A_771 : i32 to index
      %swap3A_773 = arith.index_cast %mul3A_770 : i32 to index
      %swap3A_774 = tpu.vector_load %arg7[%swap3A_772, %swap3A_773] {strides = array<i32>} : memref<32x512xf32, #tpu.memory_space<vmem>>, vector<16xf32>,
      tpu.vector_store %arg7[%swap3A_772, %swap3A_773], %gather3A_768 {strides = array<i32>} : memref<32x512xf32, #tpu.memory_space<vmem>>, vector<16xf32>,
      %broadcast_in_dim3A_775 = arith.constant 27 : i32
      %broadcast_in_dim3A_776 = vector.broadcast %broadcast_in_dim3A_775 : i32 to vector<16xi32>
      %gather3A_777 = tpu.vector_load_idx %arg6[%iota3A, %broadcast_in_dim3A_776, %and3A_13] : memref<16x32x128xf32, #tpu.memory_space<vmem>>[vector<16xi32>, vector<16xi32>, vector<16xi32>], vector<16xf32>,
      %mul3A_778 = arith.constant 16 : i32
      %mul3A_779 = arith.muli %scan3A_8, %mul3A_778 : i32
      %swap3A_780 = arith.constant 27 : i32
      %swap3A_781 = arith.index_cast %swap3A_780 : i32 to index
      %swap3A_782 = arith.index_cast %mul3A_779 : i32 to index
      %swap3A_783 = tpu.vector_load %arg7[%swap3A_781, %swap3A_782] {strides = array<i32>} : memref<32x512xf32, #tpu.memory_space<vmem>>, vector<16xf32>,
      tpu.vector_store %arg7[%swap3A_781, %swap3A_782], %gather3A_777 {strides = array<i32>} : memref<32x512xf32, #tpu.memory_space<vmem>>, vector<16xf32>,
      %broadcast_in_dim3A_784 = arith.constant 28 : i32
      %broadcast_in_dim3A_785 = vector.broadcast %broadcast_in_dim3A_784 : i32 to vector<16xi32>
      %gather3A_786 = tpu.vector_load_idx %arg6[%iota3A, %broadcast_in_dim3A_785, %and3A_13] : memref<16x32x128xf32, #tpu.memory_space<vmem>>[vector<16xi32>, vector<16xi32>, vector<16xi32>], vector<16xf32>,
      %mul3A_787 = arith.constant 16 : i32
      %mul3A_788 = arith.muli %scan3A_8, %mul3A_787 : i32
      %swap3A_789 = arith.constant 28 : i32
      %swap3A_790 = arith.index_cast %swap3A_789 : i32 to index
      %swap3A_791 = arith.index_cast %mul3A_788 : i32 to index
      %swap3A_792 = tpu.vector_load %arg7[%swap3A_790, %swap3A_791] {strides = array<i32>} : memref<32x512xf32, #tpu.memory_space<vmem>>, vector<16xf32>,
      tpu.vector_store %arg7[%swap3A_790, %swap3A_791], %gather3A_786 {strides = array<i32>} : memref<32x512xf32, #tpu.memory_space<vmem>>, vector<16xf32>,
      %broadcast_in_dim3A_793 = arith.constant 29 : i32
      %broadcast_in_dim3A_794 = vector.broadcast %broadcast_in_dim3A_793 : i32 to vector<16xi32>
      %gather3A_795 = tpu.vector_load_idx %arg6[%iota3A, %broadcast_in_dim3A_794, %and3A_13] : memref<16x32x128xf32, #tpu.memory_space<vmem>>[vector<16xi32>, vector<16xi32>, vector<16xi32>], vector<16xf32>,
      %mul3A_796 = arith.constant 16 : i32
      %mul3A_797 = arith.muli %scan3A_8, %mul3A_796 : i32
      %swap3A_798 = arith.constant 29 : i32
      %swap3A_799 = arith.index_cast %swap3A_798 : i32 to index
      %swap3A_800 = arith.index_cast %mul3A_797 : i32 to index
      %swap3A_801 = tpu.vector_load %arg7[%swap3A_799, %swap3A_800] {strides = array<i32>} : memref<32x512xf32, #tpu.memory_space<vmem>>, vector<16xf32>,
      tpu.vector_store %arg7[%swap3A_799, %swap3A_800], %gather3A_795 {strides = array<i32>} : memref<32x512xf32, #tpu.memory_space<vmem>>, vector<16xf32>,
      %broadcast_in_dim3A_802 = arith.constant 30 : i32
      %broadcast_in_dim3A_803 = vector.broadcast %broadcast_in_dim3A_802 : i32 to vector<16xi32>
      %gather3A_804 = tpu.vector_load_idx %arg6[%iota3A, %broadcast_in_dim3A_803, %and3A_13] : memref<16x32x128xf32, #tpu.memory_space<vmem>>[vector<16xi32>, vector<16xi32>, vector<16xi32>], vector<16xf32>,
      %mul3A_805 = arith.constant 16 : i32
      %mul3A_806 = arith.muli %scan3A_8, %mul3A_805 : i32
      %swap3A_807 = arith.constant 30 : i32
      %swap3A_808 = arith.index_cast %swap3A_807 : i32 to index
      %swap3A_809 = arith.index_cast %mul3A_806 : i32 to index
      %swap3A_810 = tpu.vector_load %arg7[%swap3A_808, %swap3A_809] {strides = array<i32>} : memref<32x512xf32, #tpu.memory_space<vmem>>, vector<16xf32>,
      tpu.vector_store %arg7[%swap3A_808, %swap3A_809], %gather3A_804 {strides = array<i32>} : memref<32x512xf32, #tpu.memory_space<vmem>>, vector<16xf32>,
      %broadcast_in_dim3A_811 = arith.constant 31 : i32
      %broadcast_in_dim3A_812 = vector.broadcast %broadcast_in_dim3A_811 : i32 to vector<16xi32>
      %gather3A_813 = tpu.vector_load_idx %arg6[%iota3A, %broadcast_in_dim3A_812, %and3A_13] : memref<16x32x128xf32, #tpu.memory_space<vmem>>[vector<16xi32>, vector<16xi32>, vector<16xi32>], vector<16xf32>,
      %mul3A_814 = arith.constant 16 : i32
      %mul3A_815 = arith.muli %scan3A_8, %mul3A_814 : i32
      %swap3A_816 = arith.constant 31 : i32
      %swap3A_817 = arith.index_cast %swap3A_816 : i32 to index
      %swap3A_818 = arith.index_cast %mul3A_815 : i32 to index
      %swap3A_819 = tpu.vector_load %arg7[%swap3A_817, %swap3A_818] {strides = array<i32>} : memref<32x512xf32, #tpu.memory_space<vmem>>, vector<16xf32>,
      tpu.vector_store %arg7[%swap3A_817, %swap3A_818], %gather3A_813 {strides = array<i32>} : memref<32x512xf32, #tpu.memory_space<vmem>>, vector<16xf32>,
    }
    %scan3A_7 = arith.constant 32 : i32
    "tpu.region"() ({
      %run_scoped3A = tpu.sem_alloc : memref<!tpu.dma_semaphore, #tpu.memory_space<semaphore_mem>>
      %dma_start3A = arith.constant 0 : i32
      %dma_start3A_8 = tpu.memref_slice %arg4[%dma_start3A, %mul3A_2] : memref<32x16384xf32, #tpu.memory_space<hbm>> -> memref<32x512xf32, #tpu.memory_space<hbm>>
      %dma_start3A_9 = arith.constant 0 : i32
      %dma_start3A_10 = tpu.memref_slice %arg4[%dma_start3A_9, %mul3A_2] : memref<32x16384xf32, #tpu.memory_space<hbm>> -> memref<32x512xf32, #tpu.memory_space<hbm>>
      tpu.enqueue_dma source(%arg7 : memref<32x512xf32, #tpu.memory_space<vmem>>) target(%dma_start3A_10 : memref<32x512xf32, #tpu.memory_space<hbm>>) target_semaphore(%run_scoped3A : memref<!tpu.dma_semaphore, #tpu.memory_space<semaphore_mem>>)
      %dma_wait3A = arith.constant 0 : i32
      %dma_wait3A_11 = tpu.memref_slice %arg4[%dma_wait3A, %mul3A_2] : memref<32x16384xf32, #tpu.memory_space<hbm>> -> memref<32x512xf32, #tpu.memory_space<hbm>>
      %dma_wait3A_12 = arith.constant 0 : i32
      %dma_wait3A_13 = tpu.memref_slice %arg4[%dma_wait3A_12, %mul3A_2] : memref<32x16384xf32, #tpu.memory_space<hbm>> -> memref<32x512xf32, #tpu.memory_space<hbm>>
      tpu.wait_dma2 semaphore(%run_scoped3A : memref<!tpu.dma_semaphore, #tpu.memory_space<semaphore_mem>>) src(%arg7 : memref<32x512xf32, #tpu.memory_space<vmem>>) dst(%dma_wait3A_13 : memref<32x512xf32, #tpu.memory_space<hbm>>)
      tpu.yield
    }) : () -> ()
    return
  }
}

</mosaic_0001>

<sc_bundles>
// kernel: kernel.3.cloned.1.call-start
scs
__scs_entry_jumppad:
0x0: {  	(pc) =	sbr.rel $0x88, $3  }
0x1: {  	(tag) =	ssettag $0x0;
	lr =	simm.s32 $0x1  }
0x2: {  	[smem:$0x3F9F] =	sst lr;
	_ =	strace $0xD0000000  }
0x3: {  	_ = 	snop  }
0x4: {  	_ = 	snop  }
0x5: {  	_ = 	snop  }
0x6: {  	_ = 	snop  }
0x7: {  	_ = 	snop  }
__scs_overlays_trampoline_lowered:
0x8: {  	[smem:$0x3FAE] =	sst s0  }
0x9: {  	[smem:$0x3FAF] =	sst s1  }
0xa: {  	[smem:$0x3FB0] =	sst s2  }
0xb: {  	[smem:$0x3FB1] =	sst s3  }
0xc: {  	[smem:$0x3FB2] =	sst s4  }
0xd: {  	[smem:$0x3FB3] =	sst s5  }
0xe: {  	[smem:$0x3FB4] =	sst s6  }
0xf: {  	[smem:$0x3FB5] =	sst s7  }
0x10: {  	[smem:$0x3FB6] =	sst s8  }
0x11: {  	[smem:$0x3FB7] =	sst s9;
	s0 =	simm.s32 @!p0 $0x0  }
0x12: {  	s1 =	sld [smem:$0x3F9D];
	s0 =	simm.s32 @p0 $0x1  }
0x13: {  	[smem:$0x3FB8] =	sst s0;
	s0 =	simm.s32 @!p1 $0x0  }
0x14: {  	s2 =	sld [smem:$0x3F9C];
	s0 =	simm.s32 @p1 $0x1  }
0x15: {  	[smem:$0x3FB9] =	sst s0;
	s0 =	simm.s32 @!p2 $0x0  }
0x16: {  	s3 =	sld [smem:$0x3FDB];
	s0 =	simm.s32 @p2 $0x1  }
0x17: {  	s4 =	simm.s32 $0x1BF5;
	[smem:$0x3FBB] =	sst s0  }
0x18: {  	s0 =	sld [smem:$0x3F9E];
	_ =	swait.ge [sflag:s4], $0x0  }
0x19: {  	s7 =	sld [smem:$0x3F9F]  }
0x1a: {  	s8 =	sadd.s32 $0xFFFFE003, lr  }
0x1b: {  	s9 =	sadd.s32 $0xFFFFFEF7, lr;
	s5 =	simm.s32 $0xFFFFFFFF;
	p2 =	slt.u32 s8, $0xFFFFF086  }
0x1c: {  	p1 =	slt.u32 s9, $0xF7A;
	s5 =	simm.s32 @!p2 $0x0  }
0x1d: {  	s5 =	simm.s32 @p1 $0x1;
	p0 =	seq.s32 s7, s2  }
0x1e: {  	s7 =	smul.u32 @!p0 $0xF7A, s2;
	p2 =	seq.s32 @!p0 s5, $0x0  }
0x1f: {  	s9 =	smul.u32 $0xF7A, s1;
	s8 =	simm.s32 @!p0 $0x1BF5;
	p2 =	por !p2, p0  }
0x20: {  	[sflag:s8] =	ssyncset.s32 @!p0 $0xFFFFF086;
	s6 =	sadd.s32 @!p0 s3, s7;
	s7 =	simm.s32 @!p0 $0x108  }
0x21: {  	s3 =	sadd.s32 s3, s9;
	s6 =	sadd.s32 @!p0 $0x88, s6;
	s7 =	simm.s32 @p2 $0x1082  }
0x22: {  	[simem:s7], [sflag:s8] =	dma.local @!p0 [hbm:s6], $0xF7A  }
0x23: {  	s9 =	sor.u32 $0xD0000000, s2;
	s6 =	simm.s32 $0x108;
	_ =	swait.ge @!p0 [sflag:s8], $0x0  }
0x24: {  	s3 =	sadd.s32 $0x88, s3;
	s6 =	simm.s32 @!p1 $0x1082;
	[sflag:s4] =	ssyncset.s32 $0xFFFFF086  }
0x25: {  	[simem:s6], [sflag:s4] =	dma.local [hbm:s3], $0xF7A  }
0x26: {  	[smem:$0x3F9F] =	sst s1;
	(tag) =	ssettag s2;
	_ =	strace s9  }
0x27: {  	s1 =	sld [smem:$0x3FAF]  }
0x28: {  	s2 =	sld [smem:$0x3FB0]  }
0x29: {  	s4 =	sld [smem:$0x3FB2]  }
0x2a: {  	p0 =	seq.s32 s5, $0x0;
	s5 =	sld [smem:$0x3FB3]  }
0x2b: {  	s6 =	sld [smem:$0x3FB4]  }
0x2c: {  	s7 =	sld [smem:$0x3FB5]  }
0x2d: {  	s3 =	simm.s32 $0x108;
	s8 =	sld [smem:$0x3FB6]  }
0x2e: {  	s3 =	simm.s32 @!p0 $0x1082;
	s9 =	sld [smem:$0x3FB7]  }
0x2f: {  	lr =	sadd.s32 s0, s3;
	s0 =	sld [smem:$0x3FAE]  }
0x30: {  	s3 =	sld [smem:$0x3FB1]  }
0x31: {  	[smem:$0x3FBA] =	sst s10  }
0x32: {  	s10 =	sld [smem:$0x3FB8];
	_ =	sdelay $0x3  }
0x33: {  	p0 =	seq.s32 s10, $0x1;
	s10 =	sld [smem:$0x3FBA];
	_ =	sdelay $0x3  }
0x34: {  	[smem:$0x3FBA] =	sst s10  }
0x35: {  	s10 =	sld [smem:$0x3FB9];
	_ =	sdelay $0x3  }
0x36: {  	p1 =	seq.s32 s10, $0x1;
	s10 =	sld [smem:$0x3FBA];
	_ =	sdelay $0x3  }
0x37: {  	[smem:$0x3FBA] =	sst s10  }
0x38: {  	s10 =	sld [smem:$0x3FBB]  }
0x39: {  	_ = 	snop;
	(pc) =	sbr.ind lr, $3  }
0x3a: {  	_ = 	snop  }
0x3b: {  	_ = 	snop  }
0x3c: {  	p2 =	seq.s32 s10, $0x1;
	s10 =	sld [smem:$0x3FBA]  }
0x3d: {  	_ =	shalt  }
0x3e: {  	_ =	shalt  }
0x3f: {  	_ =	shalt  }
0x40: {  	_ =	shalt  }
0x41: {  	_ =	shalt  }
0x42: {  	_ =	shalt  }
0x43: {  	_ =	shalt  }
0x44: {  	_ =	shalt  }
0x45: {  	_ =	shalt  }
0x46: {  	_ =	shalt  }
0x47: {  	_ =	shalt  }
0x48: {  	_ =	shalt  }
0x49: {  	_ =	shalt  }
0x4a: {  	_ =	shalt  }
0x4b: {  	_ =	shalt  }
0x4c: {  	_ =	shalt  }
0x4d: {  	_ =	shalt  }
0x4e: {  	_ =	shalt  }
0x4f: {  	_ =	shalt  }
0x50: {  	_ =	shalt  }
0x51: {  	_ =	shalt  }
0x52: {  	_ =	shalt  }
0x53: {  	_ =	shalt  }
0x54: {  	_ =	shalt  }
0x55: {  	_ =	shalt  }
0x56: {  	_ =	shalt  }
0x57: {  	_ =	shalt  }
0x58: {  	_ =	shalt  }
0x59: {  	_ =	shalt  }
0x5a: {  	_ =	shalt  }
0x5b: {  	_ =	shalt  }
0x5c: {  	_ =	shalt  }
0x5d: {  	_ =	shalt  }
0x5e: {  	_ =	shalt  }
0x5f: {  	_ =	shalt  }
0x60: {  	_ =	shalt  }
0x61: {  	_ =	shalt  }
0x62: {  	_ =	shalt  }
0x63: {  	_ =	shalt  }
0x64: {  	_ =	shalt  }
0x65: {  	_ =	shalt  }
0x66: {  	_ =	shalt  }
0x67: {  	_ =	shalt  }
0x68: {  	_ =	shalt  }
0x69: {  	_ =	shalt  }
0x6a: {  	_ =	shalt  }
0x6b: {  	_ =	shalt  }
0x6c: {  	_ =	shalt  }
0x6d: {  	_ =	shalt  }
0x6e: {  	_ =	shalt  }
0x6f: {  	_ =	shalt  }
0x70: {  	_ =	shalt  }
0x71: {  	_ =	shalt  }
0x72: {  	_ =	shalt  }
0x73: {  	_ =	shalt  }
0x74: {  	_ =	shalt  }
0x75: {  	_ =	shalt  }
0x76: {  	_ =	shalt  }
0x77: {  	_ =	shalt  }
0x78: {  	_ =	shalt  }
0x79: {  	_ =	shalt  }
0x7a: {  	_ =	shalt  }
0x7b: {  	_ =	shalt  }
0x7c: {  	_ =	shalt  }
0x7d: {  	_ =	shalt  }
0x7e: {  	_ =	shalt  }
0x7f: {  	_ =	shalt  }
0x80: {  	_ =	shalt  }
0x81: {  	_ =	shalt  }
0x82: {  	_ =	shalt  }
0x83: {  	_ =	shalt  }
0x84: {  	_ =	shalt  }
0x85: {  	_ =	shalt  }
0x86: {  	_ =	shalt  }
0x87: {  	_ =	shalt  }
.Lfunc_end0:
.L_simem_size_0:
called_computation_lowered:
.L_overlay_start_0:
0x88: {  	s2 =	sld [smem:$0x3FD9]  }
0x89: {  	s3 =	sld [smem:$0x3FFE];
	_ =	sdelay $0x1  }
0x8a: {  	s1 =	srdreg.scid  }
0x8b: {  	s0 =	sand.u32 $0x1, s1  }
0x8c: {  	s18 =	sshll.u32 s0, $0xA;
	s2 =	sadd.s32 s3, s2  }
0x8d: {  	s2 =	sadd.s32 s2, s18  }
0x8e: {  	[smem:$0x3FC6] =	sst s2  }
0x8f: {  	_ = 	snop  }
0x90: {  	s2 =	sld [smem:$0x3FC9]  }
0x91: {  	s19 =	sld [smem:$0x3FC8]  }
0x92: {  	s4 =	sld [smem:$0x3FD0];
	(tm) =	ssettm $0x1  }
0x93: {  	s5 =	sld [smem:$0x3FFB];
	_ =	sdelay $0x3  }
0x94: {  	_ =	strace s5  }
0x95: {  	s5 =	sld [smem:$0x3FFC];
	_ =	sdelay $0x3  }
0x96: {  	_ =	strace s5  }
0x97: {  	s5 =	sld [smem:$0x3FFD];
	_ =	sdelay $0x3  }
0x98: {  	_ =	strace s5  }
0x99: {  	_ =	strace $0x8FFFFFFF  }
0x9a: {  	s20 =	sld [smem:$0x3FDB];
	_ =	sdelay $0x1  }
0x9b: {  	s6 =	simm.s32 $_scs_section_size  }
0x9c: {  	s7 =	simm.s32 $_size__tile_overlayer_lowered;
	s8 =	simm.s32 $_tile_overlayer_lowered  }
0x9d: {  	s23 =	simm.s32 $0x1BFF;
	s22 =	sshll.u32 s8, $0x1;
	s5 =	sadd.s32 s6, s20  }
0x9e: {  	s9 =	simm.s32 $0x0;
	s21 =	sshll.u32 s7, $0x1;
	s7 =	sadd.s32 s22, s5  }
0x9f: {  	[timem:s9], [sflag:s23] =	dma.local [hbm:s7], s21  }
0xa0: {  	_ =	swait.ge [sflag:s23], s21  }
0xa1: {  	s6 =	ssub.s32 $0x0, s21;
	[sflag:s23] =	ssyncset.done $0x0  }
0xa2: {  	[sflag:s23] =	ssyncadd.s32 s6;
	_ =	sdelay $0x1  }
0xa3: {  	s24 =	simm.s32 $0x1B8B  }
0xa4: {  	_ =	swait.ge [sflag:s24], $0x1  }
0xa5: {  	[sflag:s24] =	ssyncset.done $0x0  }
0xa6: {  	s25 =	simm.s32 $0x1B8E;
	[sflag:s24] =	ssyncadd.s32 $0xFFFFFFFF  }
0xa7: {  	s26 =	simm.s32 $execute0_lowered;
	[smem:$0x3FD2] =	sst s25  }
0xa8: {  	s6 =	sshll.u32 s26, $0x1;
	_ =	strace $0x80000046;
	[dreg:$0x1] =	wrdreg $0xFFFFFFFF  }
0xa9: {  	s28 =	simm.s32 $_size_execute0_lowered;
	s5 =	sadd.s32 s5, s6;
	[dreg:$0x0] =	wrdreg $0x0  }
0xaa: {  	s6 =	sshll.u32 s28, $0x1;
	[dreg:$0x2] =	wrdreg s5  }
0xab: {  	[dreg:$0x3] =	wrdreg s6  }
0xac: {  	[dreg:$0x4] =	wrdreg $0xC0  }
0xad: {  	_ =	task [dreg:s9], $0x5FFFF  }
0xae: {  	[dreg:$0x1] =	wrdreg $0xFFFFFFFF  }
0xaf: {  	[dreg:$0x0] =	wrdreg $0x60  }
0xb0: {  	[dreg:$0x2] =	wrdreg s2  }
0xb1: {  	[dreg:$0x3] =	wrdreg s19  }
0xb2: {  	[dreg:$0x4] =	wrdreg s4  }
0xb3: {  	[dreg:$0x5] =	wrdreg $0x9  }
0xb4: {  	_ =	task.clear_ibuf [dreg:s9], $0x6FFFF;
	_ =	strace $0x90000046  }
0xb5: {  	s29 =	simm.s32 $0x9;
	_ =	strace $0x80000048  }
0xb6: {  	_ =	swait.ge [sflag:s29], $0x1  }
0xb7: {  	[sflag:s29] =	ssyncadd.s32 $0xFFFFFFFF  }
0xb8: {  	_ =	strace $0x90000048  }
0xb9: {  	_ =	sfence  }
0xba: {  	s30 =	sld [smem:$0x0];
	_ =	sdelay $0x2  }
0xbb: {  	s31 =	sshll.u32 s1, $0xD;
	s1 =	sshrl.u32 s1, $0x2  }
0xbc: {  	s3 =	sand.u32 $0x4000, s31;
	s1 =	sadd.s32 s1, s30  }
0xbd: {  	s0 =	sor.u32 s3, s0;
	s1 =	sshll.u32 s1, $0x11  }
0xbe: {  	s0 =	sor.u32 s1, s0  }
0xbf: {  	s0 =	sadd.s32 $0x8F2B, s0  }
0xc0: {  	[sflag:s0] =	ssyncadd.remote.s32 $0x1  }
0xc1: {  	_ =	sfence.sel $0xFFFF  }
0xc2: {  	[dreg:$0x0] =	wrdreg $0xFFFFFFFF;
	(pc) =	sbr.abs _section_cstart, $3  }
0xc3: {  	[dreg:$0x1] =	wrdreg $0xFFFFFFFF  }
0xc4: {  	_ =	task.clear_ibuf [dreg:s9], $0x2FFFF;
	_ =	strace $0x9FFFFFFF  }
0xc5: {  	(tm) =	ssettm $0x7FFFFFFF  }
tec
execute0_lowered:
.L_overlay_start_1:
0x0: {  	(tag) =	ssettag $0x1  }
0x1: {  	s4 =	rddreg [dreg:$0x0]  }
0x2: {  	s1 =	rddreg [dreg:$0x1]  }
0x3: {  	s5 =	rddreg [dreg:$0x2]  }
0x4: {  	s0 =	rddreg [dreg:$0x3];
	s3 =	simm.s32 $0x0  }
0x5: {  	s6 =	srdreg.scid;
	s7 =	simm.s32 $0x1200;
	[smem:$0x7FF] =	sst s3  }
0x6: {  	s18 =	simm.s32 $0x2200;
	_ =	strace $0x80000047;
	[dreg:$0x4] =	wrdreg s7  }
0x7: {  	s2 =	stileid.u32;
	s19 =	simm.s32 $0x3200;
	[dreg:$0x5] =	wrdreg s18  }
0x8: {  	s20 =	simm.s32 $0x4200;
	s22 =	simm.s32 $0x5200;
	[dreg:$0x6] =	wrdreg s19  }
0x9: {  	v0 =	vlaneseq.u32;
	s23 =	simm.s32 $0x6200;
	s24 =	simm.s32 $0x7200;
	[dreg:$0x7] =	wrdreg s20  }
0xa: {  	s25 =	simm.s32 $0x8200;
	s26 =	simm.s32 $0x9200;
	v0 =	vmul.u32 $0x1000, v0;
	[dreg:$0x8] =	wrdreg s22  }
0xb: {  	s28 =	simm.s32 $0xA200;
	s29 =	simm.s32 $0xB200;
	[dreg:$0x9] =	wrdreg s23  }
0xc: {  	s30 =	simm.s32 $0xC200;
	s10 =	simm.s32 $0xD200;
	[dreg:$0xa] =	wrdreg s24;
	v1 =	vor.u32 $0x80, v0  }
0xd: {  	s11 =	simm.s32 $0xE200;
	s31 =	simm.s32 $0xF200;
	[dreg:$0xb] =	wrdreg s25;
	v2 =	vor.u32 $0x100, v0;
	v3 =	vor.u32 $0x180, v0;
	v4 =	vor.u32 $0x200, v0  }
0xe: {  	s12 =	simm.s32 $0x1000;
	s13 =	simm.s32 $0x20000;
	[dreg:$0xc] =	wrdreg s26;
	v5 =	vor.u32 $0x280, v0;
	v6 =	vor.u32 $0x300, v0;
	v7 =	vor.u32 $0x380, v0  }
0xf: {  	s14 =	simm.s32 $0x10200;
	s15 =	simm.s32 $0x0;
	[dreg:$0xd] =	wrdreg s28;
	v8 =	vor.u32 $0x400, v0;
	v9 =	vor.u32 $0x480, v0;
	v10 =	vor.u32 $0x500, v0  }
0x10: {  	s6 =	sand.u32 $0x1, s6;
	s21 =	sshll.u32 s2, $0xA;
	[dreg:$0xe] =	wrdreg s29;
	v11 =	vor.u32 $0x580, v0;
	v12 =	vor.u32 $0x600, v0;
	v13 =	vor.u32 $0x680, v0  }
0x11: {  	s8 =	ssub.s32 $0x2, s6;
	s6 =	sshll.u32 s6, $0x9;
	[dreg:$0xf] =	wrdreg s30;
	v14 =	vor.u32 $0x700, v0;
	v15 =	vor.u32 $0x780, v0;
	v16 =	vor.u32 $0x800, v0  }
0x12: {  	s7 =	simm.s32 $0x2;
	[dreg:$0x10] =	wrdreg s10;
	s10 =	simm.s32 $0x200;
	v17 =	vor.u32 $0x880, v0;
	v18 =	vor.u32 $0x900, v0;
	v19 =	vor.u32 $0x980, v0  }
0x13: {  	[dreg:$0x11] =	wrdreg s11;
	s9 =	sshrl.u32 s8, $0x1;
	s6 =	sor.u32 s6, s21;
	v20 =	vor.u32 $0xA00, v0;
	v21 =	vor.u32 $0xA80, v0;
	v22 =	vor.u32 $0xB00, v0  }
0x14: {  	[dreg:$0x12] =	wrdreg s31;
	v23 =	vor.u32 $0xB80, v0;
	v24 =	vor.u32 $0xC00, v0;
	v25 =	vor.u32 $0xC80, v0;
	s8 =	ssub.s32 s8, s9;
	s9 =	sshrl.u32 s6, $0x3  }
0x15: {  	s11 =	simm.s32 $0x1;
	v26 =	vor.u32 $0xD00, v0;
	v27 =	vor.u32 $0xD80, v0;
	v28 =	vor.u32 $0xE00, v0;
	s5 =	sadd.s32 s5, s6;
	s4 =	sadd.s32 s4, s9  }
0x16: {  	v29 =	vor.u32 $0xE80, v0;
	v30 =	vor.u32 $0xF00, v0;
	v31 =	vor.u32 $0xF80, v0;
	s6 =	smax.u32 s8, $0x1;
	s8 =	simm.s32 $0x400;
	s9 =	simm.s32 $0x7A1400  }
.LBB2_1:
0x17: {  	[tilespmem:s3], [sflag:$0x2] =	stream.linear.gather [hbm4b:s4+s3], $0x200, $0x38;
	[tilespmem:$0x14200] =	vst v63  }
0x18: {  	_ =	swait.ge [sflag:s7], $0x200  }
0x19: {  	s16 =	simm.s32 $0x0;
	[sflag:s7] =	ssyncset.done $0x0  }
0x1a: {  	s17 =	simm.s32 $0x0;
	s18 =	simm.s32 $0x0;
	[sflag:s7] =	ssyncadd.s32 $0xFFFFFE00  }
.LBB2_2:
0x1b: {  	v32 =	vld [tilespmem:s16+$0x0];
	_ =	sdelay $0x4  }
0x1c: {  	(v2sf) =	vpush v32, $0x0;
	_ =	sdelay $0x1  }
0x1d: {  	(v2sf) =	vpush v32, $0x1;
	_ =	sdelay $0x1  }
0x1e: {  	(v2sf) =	vpush v32, $0x2;
	_ =	sdelay $0x2  }
0x1f: {  	(v2sf) =	vpush v32, $0x3;
	_ =	sdelay $0x7  }
0x20: {  	s19 =	spop (v2sf);
	(v2sf) =	vpush v32, $0x4;
	_ =	sdelay $0x1  }
0x21: {  	s31 =	spop (v2sf);
	(v2sf) =	vpush v32, $0x5;
	_ =	sdelay $0x1  }
0x22: {  	s21 =	spop (v2sf);
	(v2sf) =	vpush v32, $0x6;
	_ =	sdelay $0x1  }
0x23: {  	s19 =	sand.u32 $0xFFFFF80, s19  }
0x24: {  	s19 =	sadd.s32 s1, s19;
	s23 =	spop (v2sf);
	(v2sf) =	vpush v32, $0x7  }
0x25: {  	[tilespmem:s10], [sflag:$0x1] =	stream.strided.gather [hbm4b:s19+s8], $0x1000, s9, s8, $0x38;
	[tilespmem:$0x14200] =	vst v63  }
0x26: {  	s19 =	sand.u32 $0xFFFFF80, s31  }
0x27: {  	s20 =	rddreg [dreg:$0x4];
	s19 =	sadd.s32 s1, s19  }
0x28: {  	[tilespmem:s20], [sflag:$0x1] =	stream.strided.gather [hbm4b:s19+s8], $0x1000, s9, s8, $0x38;
	[tilespmem:$0x14200] =	vst v63  }
0x29: {  	s19 =	sand.u32 $0xFFFFF80, s21  }
0x2a: {  	s22 =	rddreg [dreg:$0x5];
	s19 =	sadd.s32 s1, s19  }
0x2b: {  	[tilespmem:s22], [sflag:$0x1] =	stream.strided.gather [hbm4b:s19+s8], $0x1000, s9, s8, $0x38;
	[tilespmem:$0x14200] =	vst v63  }
0x2c: {  	s25 =	spop (v2sf);
	(v2sf) =	vpush v32, $0x8  }
0x2d: {  	s19 =	sand.u32 $0xFFFFF80, s23  }
0x2e: {  	s24 =	rddreg [dreg:$0x6];
	s19 =	sadd.s32 s1, s19;
	s28 =	spop (v2sf);
	(v2sf) =	vpush v32, $0x9  }
0x2f: {  	[tilespmem:s24], [sflag:$0x1] =	stream.strided.gather [hbm4b:s19+s8], $0x1000, s9, s8, $0x38;
	[tilespmem:$0x14200] =	vst v63  }
0x30: {  	s19 =	sand.u32 $0xFFFFF80, s25;
	s30 =	spop (v2sf);
	(v2sf) =	vpush v32, $0xA  }
0x31: {  	s26 =	rddreg [dreg:$0x7];
	s19 =	sadd.s32 s1, s19  }
0x32: {  	[tilespmem:s26], [sflag:$0x1] =	stream.strided.gather [hbm4b:s19+s8], $0x1000, s9, s8, $0x38;
	[tilespmem:$0x14200] =	vst v63  }
0x33: {  	s21 =	spop (v2sf);
	(v2sf) =	vpush v32, $0xB  }
0x34: {  	s19 =	sand.u32 $0xFFFFF80, s28  }
0x35: {  	s29 =	rddreg [dreg:$0x8];
	s19 =	sadd.s32 s1, s19  }
0x36: {  	[tilespmem:s29], [sflag:$0x1] =	stream.strided.gather [hbm4b:s19+s8], $0x1000, s9, s8, $0x38;
	[tilespmem:$0x14200] =	vst v63  }
0x37: {  	s19 =	sand.u32 $0xFFFFF80, s30  }
0x38: {  	s31 =	rddreg [dreg:$0x9];
	s19 =	sadd.s32 s1, s19  }
0x39: {  	[tilespmem:s31], [sflag:$0x1] =	stream.strided.gather [hbm4b:s19+s8], $0x1000, s9, s8, $0x38;
	[tilespmem:$0x14200] =	vst v63  }
0x3a: {  	s19 =	sand.u32 $0xFFFFF80, s21  }
0x3b: {  	s22 =	rddreg [dreg:$0xa];
	s19 =	sadd.s32 s1, s19;
	s23 =	spop (v2sf);
	(v2sf) =	vpush v32, $0xC  }
0x3c: {  	[tilespmem:s22], [sflag:$0x1] =	stream.strided.gather [hbm4b:s19+s8], $0x1000, s9, s8, $0x38;
	[tilespmem:$0x14200] =	vst v63  }
0x3d: {  	s25 =	spop (v2sf);
	(v2sf) =	vpush v32, $0xD  }
0x3e: {  	s19 =	sand.u32 $0xFFFFF80, s23  }
0x3f: {  	s24 =	rddreg [dreg:$0xb];
	s19 =	sadd.s32 s1, s19;
	s28 =	spop (v2sf)  }
0x40: {  	(v2sf) =	vpush v32, $0xE;
	[tilespmem:s24], [sflag:$0x1] =	stream.strided.gather [hbm4b:s19+s8], $0x1000, s9, s8, $0x38;
	[tilespmem:$0x14200] =	vst v63  }
0x41: {  	s19 =	sand.u32 $0xFFFFF80, s25  }
0x42: {  	s26 =	rddreg [dreg:$0xc];
	s30 =	spop (v2sf);
	s19 =	sadd.s32 s1, s19  }
0x43: {  	(v2sf) =	vpush v32, $0xF;
	[tilespmem:s26], [sflag:$0x1] =	stream.strided.gather [hbm4b:s19+s8], $0x1000, s9, s8, $0x38;
	[tilespmem:$0x14200] =	vst v63  }
0x44: {  	s19 =	sand.u32 $0xFFFFF80, s28  }
0x45: {  	s29 =	rddreg [dreg:$0xd];
	s19 =	sadd.s32 s1, s19  }
0x46: {  	[tilespmem:s29], [sflag:$0x1] =	stream.strided.gather [hbm4b:s19+s8], $0x1000, s9, s8, $0x38;
	[tilespmem:$0x14200] =	vst v63  }
0x47: {  	s19 =	sand.u32 $0xFFFFF80, s30  }
0x48: {  	s31 =	rddreg [dreg:$0xe];
	s19 =	sadd.s32 s1, s19  }
0x49: {  	[tilespmem:s31], [sflag:$0x1] =	stream.strided.gather [hbm4b:s19+s8], $0x1000, s9, s8, $0x38;
	[tilespmem:$0x14200] =	vst v63  }
0x4a: {  	s20 =	spop (v2sf)  }
0x4b: {  	s19 =	sand.u32 $0xFFFFF80, s20  }
0x4c: {  	s21 =	rddreg [dreg:$0xf];
	s22 =	spop (v2sf);
	s19 =	sadd.s32 s1, s19  }
0x4d: {  	[tilespmem:s21], [sflag:$0x1] =	stream.strided.gather [hbm4b:s19+s8], $0x1000, s9, s8, $0x38;
	[tilespmem:$0x14200] =	vst v63  }
0x4e: {  	s19 =	sand.u32 $0xFFFFF80, s22  }
0x4f: {  	s23 =	rddreg [dreg:$0x10];
	s24 =	spop (v2sf);
	s19 =	sadd.s32 s1, s19  }
0x50: {  	[tilespmem:s23], [sflag:$0x1] =	stream.strided.gather [hbm4b:s19+s8], $0x1000, s9, s8, $0x38;
	[tilespmem:$0x14200] =	vst v63  }
0x51: {  	s19 =	sand.u32 $0xFFFFF80, s24  }
0x52: {  	s25 =	rddreg [dreg:$0x11];
	s26 =	spop (v2sf);
	s19 =	sadd.s32 s1, s19  }
0x53: {  	[tilespmem:s25], [sflag:$0x1] =	stream.strided.gather [hbm4b:s19+s8], $0x1000, s9, s8, $0x38;
	[tilespmem:$0x14200] =	vst v63  }
0x54: {  	s19 =	sand.u32 $0xFFFFF80, s26  }
0x55: {  	s28 =	rddreg [dreg:$0x12];
	s19 =	sadd.s32 s1, s19  }
0x56: {  	[tilespmem:s28], [sflag:$0x1] =	stream.strided.gather [hbm4b:s19+s8], $0x1000, s9, s8, $0x38;
	[tilespmem:$0x14200] =	vst v63  }
0x57: {  	_ =	swait.ge [sflag:s11], $0x1000  }
0x58: {  	[sflag:s11] =	ssyncset.done $0x0  }
0x59: {  	[sflag:s11] =	ssyncadd.s32 $0xFFFFF000  }
0x5a: {  	_ =	swait.ge [sflag:s11], $0x1000  }
0x5b: {  	[sflag:s11] =	ssyncset.done $0x0  }
0x5c: {  	[sflag:s11] =	ssyncadd.s32 $0xFFFFF000  }
0x5d: {  	_ =	swait.ge [sflag:s11], $0x1000  }
0x5e: {  	[sflag:s11] =	ssyncset.done $0x0  }
0x5f: {  	[sflag:s11] =	ssyncadd.s32 $0xFFFFF000  }
0x60: {  	_ =	swait.ge [sflag:s11], $0x1000  }
0x61: {  	[sflag:s11] =	ssyncset.done $0x0  }
0x62: {  	[sflag:s11] =	ssyncadd.s32 $0xFFFFF000  }
0x63: {  	_ =	swait.ge [sflag:s11], $0x1000  }
0x64: {  	[sflag:s11] =	ssyncset.done $0x0  }
0x65: {  	[sflag:s11] =	ssyncadd.s32 $0xFFFFF000  }
0x66: {  	_ =	swait.ge [sflag:s11], $0x1000  }
0x67: {  	[sflag:s11] =	ssyncset.done $0x0  }
0x68: {  	[sflag:s11] =	ssyncadd.s32 $0xFFFFF000  }
0x69: {  	_ =	swait.ge [sflag:s11], $0x1000  }
0x6a: {  	[sflag:s11] =	ssyncset.done $0x0  }
0x6b: {  	[sflag:s11] =	ssyncadd.s32 $0xFFFFF000  }
0x6c: {  	_ =	swait.ge [sflag:s11], $0x1000  }
0x6d: {  	[sflag:s11] =	ssyncset.done $0x0  }
0x6e: {  	[sflag:s11] =	ssyncadd.s32 $0xFFFFF000  }
0x6f: {  	_ =	swait.ge [sflag:s11], $0x1000  }
0x70: {  	[sflag:s11] =	ssyncset.done $0x0  }
0x71: {  	[sflag:s11] =	ssyncadd.s32 $0xFFFFF000  }
0x72: {  	_ =	swait.ge [sflag:s11], $0x1000  }
0x73: {  	[sflag:s11] =	ssyncset.done $0x0  }
0x74: {  	[sflag:s11] =	ssyncadd.s32 $0xFFFFF000  }
0x75: {  	_ =	swait.ge [sflag:s11], $0x1000  }
0x76: {  	[sflag:s11] =	ssyncset.done $0x0  }
0x77: {  	[sflag:s11] =	ssyncadd.s32 $0xFFFFF000  }
0x78: {  	_ =	swait.ge [sflag:s11], $0x1000  }
0x79: {  	[sflag:s11] =	ssyncset.done $0x0  }
0x7a: {  	[sflag:s11] =	ssyncadd.s32 $0xFFFFF000  }
0x7b: {  	_ =	swait.ge [sflag:s11], $0x1000  }
0x7c: {  	[sflag:s11] =	ssyncset.done $0x0  }
0x7d: {  	[sflag:s11] =	ssyncadd.s32 $0xFFFFF000  }
0x7e: {  	_ =	swait.ge [sflag:s11], $0x1000  }
0x7f: {  	[sflag:s11] =	ssyncset.done $0x0  }
0x80: {  	[sflag:s11] =	ssyncadd.s32 $0xFFFFF000  }
0x81: {  	v32 =	vand.u32 $0x7F, v32;
	_ =	swait.ge [sflag:s11], $0x1000  }
0x82: {  	v33 =	vor.u32 v0, v32;
	[sflag:s11] =	ssyncset.done $0x0  }
0x83: {  	[sflag:s11] =	ssyncadd.s32 $0xFFFFF000  }
0x84: {  	_ =	swait.ge [sflag:s11], $0x1000  }
0x85: {  	[sflag:s11] =	ssyncset.done $0x0  }
0x86: {  	[sflag:s11] =	ssyncadd.s32 $0xFFFFF000  }
0x87: {  	v33 =	vld.idx.msk [tilespmem:v33+s10+$0x0], $0xffff  }
0x88: {  	v34 =	vor.u32 v1, v32;
	_ =	sdelay $0x1  }
0x89: {  	s29 =	sand.u32 $0x70, s18;
	s30 =	sand.u32 $0xC00, s17  }
0x8a: {  	s19 =	sor.u32 s29, s30  }
0x8b: {  	[tilespmem:s19+$0x10200] =	vst v33  }
0x8c: {  	v33 =	vld.idx.msk [tilespmem:v34+s10+$0x0], $0xffff  }
0x8d: {  	v63 =	vor.u32 v2, v32;
	_ =	sdelay $0x3  }
0x8e: {  	[tilespmem:s19+$0x10280] =	vst v33  }
0x8f: {  	v33 =	vld.idx.msk [tilespmem:v63+s10+$0x0], $0xffff  }
0x90: {  	v36 =	vor.u32 v3, v32;
	_ =	sdelay $0x3  }
0x91: {  	[tilespmem:s19+$0x10300] =	vst v33  }
0x92: {  	v33 =	vld.idx.msk [tilespmem:v36+s10+$0x0], $0xffff  }
0x93: {  	v37 =	vor.u32 v4, v32;
	_ =	sdelay $0x3  }
0x94: {  	[tilespmem:s19+$0x10380] =	vst v33  }
0x95: {  	v33 =	vld.idx.msk [tilespmem:v37+s10+$0x0], $0xffff  }
0x96: {  	v38 =	vor.u32 v5, v32;
	_ =	sdelay $0x3  }
0x97: {  	[tilespmem:s19+$0x10400] =	vst v33  }
0x98: {  	v33 =	vld.idx.msk [tilespmem:v38+s10+$0x0], $0xffff  }
0x99: {  	v39 =	vor.u32 v6, v32;
	_ =	sdelay $0x3  }
0x9a: {  	[tilespmem:s19+$0x10480] =	vst v33  }
0x9b: {  	v33 =	vld.idx.msk [tilespmem:v39+s10+$0x0], $0xffff  }
0x9c: {  	v40 =	vor.u32 v7, v32;
	_ =	sdelay $0x3  }
0x9d: {  	[tilespmem:s19+$0x10500] =	vst v33  }
0x9e: {  	v33 =	vld.idx.msk [tilespmem:v40+s10+$0x0], $0xffff  }
0x9f: {  	v41 =	vor.u32 v8, v32;
	_ =	sdelay $0x1  }
0xa0: {  	s31 =	sor.u32 s17, s18  }
0xa1: {  	s20 =	sor.u32 $0x380, s31  }
0xa2: {  	[tilespmem:s20+$0x10200] =	vst v33  }
0xa3: {  	v33 =	vld.idx.msk [tilespmem:v41+s10+$0x0], $0xffff  }
0xa4: {  	v42 =	vor.u32 v9, v32;
	_ =	sdelay $0x3  }
0xa5: {  	[tilespmem:s19+$0x11200] =	vst v33  }
0xa6: {  	v33 =	vld.idx.msk [tilespmem:v42+s10+$0x0], $0xffff  }
0xa7: {  	v43 =	vor.u32 v10, v32;
	_ =	sdelay $0x3  }
0xa8: {  	[tilespmem:s19+$0x11280] =	vst v33  }
0xa9: {  	v33 =	vld.idx.msk [tilespmem:v43+s10+$0x0], $0xffff  }
0xaa: {  	v44 =	vor.u32 v11, v32;
	_ =	sdelay $0x3  }
0xab: {  	[tilespmem:s19+$0x11300] =	vst v33  }
0xac: {  	v33 =	vld.idx.msk [tilespmem:v44+s10+$0x0], $0xffff  }
0xad: {  	v45 =	vor.u32 v12, v32;
	_ =	sdelay $0x3  }
0xae: {  	[tilespmem:s19+$0x11380] =	vst v33  }
0xaf: {  	v33 =	vld.idx.msk [tilespmem:v45+s10+$0x0], $0xffff  }
0xb0: {  	v46 =	vor.u32 v13, v32;
	_ =	sdelay $0x3  }
0xb1: {  	[tilespmem:s19+$0x11400] =	vst v33  }
0xb2: {  	v33 =	vld.idx.msk [tilespmem:v46+s10+$0x0], $0xffff  }
0xb3: {  	v47 =	vor.u32 v14, v32;
	_ =	sdelay $0x3  }
0xb4: {  	[tilespmem:s19+$0x11480] =	vst v33  }
0xb5: {  	v33 =	vld.idx.msk [tilespmem:v47+s10+$0x0], $0xffff  }
0xb6: {  	v48 =	vor.u32 v15, v32;
	_ =	sdelay $0x3  }
0xb7: {  	[tilespmem:s19+$0x11500] =	vst v33  }
0xb8: {  	v33 =	vld.idx.msk [tilespmem:v48+s10+$0x0], $0xffff  }
0xb9: {  	v49 =	vor.u32 v16, v32;
	_ =	sdelay $0x3  }
0xba: {  	[tilespmem:s19+$0x11580] =	vst v33  }
0xbb: {  	v33 =	vld.idx.msk [tilespmem:v49+s10+$0x0], $0xffff  }
0xbc: {  	v50 =	vor.u32 v17, v32;
	_ =	sdelay $0x3  }
0xbd: {  	[tilespmem:s19+$0x12200] =	vst v33  }
0xbe: {  	v33 =	vld.idx.msk [tilespmem:v50+s10+$0x0], $0xffff  }
0xbf: {  	v51 =	vor.u32 v18, v32;
	_ =	sdelay $0x3  }
0xc0: {  	[tilespmem:s19+$0x12280] =	vst v33  }
0xc1: {  	v33 =	vld.idx.msk [tilespmem:v51+s10+$0x0], $0xffff  }
0xc2: {  	v52 =	vor.u32 v19, v32;
	_ =	sdelay $0x3  }
0xc3: {  	[tilespmem:s19+$0x12300] =	vst v33  }
0xc4: {  	v33 =	vld.idx.msk [tilespmem:v52+s10+$0x0], $0xffff  }
0xc5: {  	v53 =	vor.u32 v20, v32;
	_ =	sdelay $0x3  }
0xc6: {  	[tilespmem:s19+$0x12380] =	vst v33  }
0xc7: {  	v33 =	vld.idx.msk [tilespmem:v53+s10+$0x0], $0xffff  }
0xc8: {  	v54 =	vor.u32 v21, v32;
	_ =	sdelay $0x3  }
0xc9: {  	[tilespmem:s19+$0x12400] =	vst v33  }
0xca: {  	v33 =	vld.idx.msk [tilespmem:v54+s10+$0x0], $0xffff  }
0xcb: {  	v55 =	vor.u32 v22, v32;
	_ =	sdelay $0x3  }
0xcc: {  	[tilespmem:s19+$0x12480] =	vst v33  }
0xcd: {  	v33 =	vld.idx.msk [tilespmem:v55+s10+$0x0], $0xffff  }
0xce: {  	v56 =	vor.u32 v23, v32;
	_ =	sdelay $0x3  }
0xcf: {  	[tilespmem:s19+$0x12500] =	vst v33  }
0xd0: {  	v33 =	vld.idx.msk [tilespmem:v56+s10+$0x0], $0xffff  }
0xd1: {  	v57 =	vor.u32 v24, v32;
	_ =	sdelay $0x3  }
0xd2: {  	[tilespmem:s19+$0x12580] =	vst v33  }
0xd3: {  	v33 =	vld.idx.msk [tilespmem:v57+s10+$0x0], $0xffff  }
0xd4: {  	v58 =	vor.u32 v25, v32;
	_ =	sdelay $0x3  }
0xd5: {  	[tilespmem:s19+$0x13200] =	vst v33  }
0xd6: {  	v33 =	vld.idx.msk [tilespmem:v58+s10+$0x0], $0xffff  }
0xd7: {  	v59 =	vor.u32 v26, v32;
	_ =	sdelay $0x3  }
0xd8: {  	[tilespmem:s19+$0x13280] =	vst v33  }
0xd9: {  	v33 =	vld.idx.msk [tilespmem:v59+s10+$0x0], $0xffff  }
0xda: {  	v60 =	vor.u32 v27, v32;
	_ =	sdelay $0x3  }
0xdb: {  	[tilespmem:s19+$0x13300] =	vst v33  }
0xdc: {  	v33 =	vld.idx.msk [tilespmem:v60+s10+$0x0], $0xffff  }
0xdd: {  	v61 =	vor.u32 v28, v32;
	_ =	sdelay $0x3  }
0xde: {  	[tilespmem:s19+$0x13380] =	vst v33  }
0xdf: {  	v33 =	vld.idx.msk [tilespmem:v61+s10+$0x0], $0xffff  }
0xe0: {  	v62 =	vor.u32 v29, v32;
	_ =	sdelay $0x3  }
0xe1: {  	[tilespmem:s19+$0x13400] =	vst v33  }
0xe2: {  	v33 =	vld.idx.msk [tilespmem:v62+s10+$0x0], $0xffff  }
0xe3: {  	v63 =	vor.u32 v30, v32;
	_ =	sdelay $0x3  }
0xe4: {  	[tilespmem:s19+$0x13480] =	vst v33  }
0xe5: {  	v33 =	vld.idx.msk [tilespmem:v63+s10+$0x0], $0xffff  }
0xe6: {  	v32 =	vor.u32 v31, v32;
	_ =	sdelay $0x3  }
0xe7: {  	[tilespmem:s19+$0x13500] =	vst v33  }
0xe8: {  	p0 =	sne.s32 s18, $0x1F0;
	v32 =	vld.idx.msk [tilespmem:v32+s10+$0x0], $0xffff  }
.Ltmp0:
0xe9: {  	_ = 	snop;
	(pc) =	sbr.rel @p0 .LBB2_2-.Ltmp0, $2  }
0xea: {  	_ =	sdelay $0x2  }
0xeb: {  	s16 =	sadd.s32 $0x10, s16;
	s17 =	sadd.s32 $0x80, s17;
	s18 =	sadd.s32 $0x10, s18;
	[tilespmem:s19+$0x13580] =	vst v32  }
0xec: {  	s15 =	sadd.s32 $0x1, s15  }
0xed: {  	p0 =	sne.s32 s15, s6  }
.Ltmp1:
0xee: {  	_ = 	snop;
	(pc) =	sbr.rel @p0 .LBB2_1-.Ltmp1, $4  }
0xef: {  	[hbm4b:s5+s12] =	stream.strided.scatter [tilespmem:s14], [sflag:$0x2], $0x4000, s13, s12, $0x38;
	[tilespmem:$0x14200] =	vst v63  }
0xf0: {  	_ =	swait.ge [sflag:s7], $0x4000  }
0xf1: {  	[sflag:s7] =	ssyncset.done $0x0  }
0xf2: {  	[sflag:s7] =	ssyncadd.s32 $0xFFFFC000  }
0xf3: {  	_ =	sfence.sel $0x180000  }
0xf4: {  	[bflag:$0x0] =	sbarrier.arrive $0xFFFF  }
0xf5: {  	p0 =	sne.s32 s2, $0x0;
	_ =	strace $0x90000047  }
0xf6: {  	s0 =	sadd.s32 @!p0 $0x100000, s0;
	[bflag:$0x2] =	sbarrier.arrive $0xFFFF  }
0xf7: {  	[sflag:s0] =	ssyncadd.tile.s32 @!p0 $0x1;
	_ =	shalt  }
.Lfunc_end2:
_tile_overlayer_lowered:
.L_overlay_start_2:
0xf8: {  	(tag) =	ssettag $0x2  }
0xf9: {  	s0 =	rddreg [dreg:$0x0];
	s2 =	stileid.u32  }
0xfa: {  	s1 =	rddreg [dreg:$0x1];
	p0 =	sne.s32 s2, $0x0  }
0xfb: {  	s3 =	rddreg [dreg:$0x2];
	[bflag:$0x3] =	sbarrier.arrive $0xFFFF;
	s2 =	simm.s32 @!p0 $0x1C02  }
0xfc: {  	[timem:s3], [sflag:s2] =	dma.local @!p0 [hbm:s0], s1  }
0xfd: {  	s0 =	simm.s32 @!p0 $0x2  }
0xfe: {  	_ =	swait.ge @!p0 [sflag:s0], s1  }
0xff: {  	s1 =	ssub.s32 @!p0 $0x0, s1;
	[sflag:s0] =	ssyncset.done @!p0 $0x0  }
0x100: {  	[sflag:s0] =	ssyncadd.s32 @!p0 s1  }
0x101: {  	[bflag:$0x3] =	sbarrier.arrive $0xFFFF  }
0x102: {  	_ =	shalt  }

</sc_bundles>
